<compile_context>
chip_gen: v7x
topology: tpu7x:2x2x1
jax: 0.10.2.dev20260603
libtpu: 0.0.44.dev20260713+nightly
codegen_flags: <defaults>
</compile_context>

<pallas_src>
import functools

import jax
import jax.numpy as jnp
from jax import lax
from jax.experimental import pallas as pl
from jax.experimental.pallas import tpu as pltpu
from jax.experimental.pallas import tpu_sc as plsc

NC = 2
NS = 16
NW = NC * NS
CH = 80
CH_S = 400


def _sc_mesh():
  return plsc.VectorSubcoreMesh(core_axis_name="c", subcore_axis_name="s")


def _make_deg_kernel(n_nodes, n_edges, ch):
  ept = n_edges // NW
  nch = ept // ch

  @functools.partial(
      pl.kernel,
      out_type=jax.ShapeDtypeStruct((NC, n_nodes), jnp.float32),
      mesh=_sc_mesh(),
      scratch_types=[
          pltpu.VMEM_SHARED((n_nodes,), jnp.float32),
          pltpu.VMEM((nch, ch), jnp.int32),
          pltpu.VMEM((ch,), jnp.float32),
          pltpu.SemaphoreType.DMA,
          pltpu.SemaphoreType.DMA,
      ],
      compiler_params=pltpu.CompilerParams(use_tc_tiling_on_sc=False,
                                           disable_bounds_checks=True),
  )
  def deg_kernel(ei_hbm, ones_hbm, zeros_hbm, out_hbm, acc, didx, ones_v,
                 sem0, sem1):
    c = lax.axis_index("c")
    s = lax.axis_index("s")
    wid = s * NC + c

    @pl.when(s == 0)
    def _zero():
      pltpu.sync_copy(zeros_hbm, acc)

    pltpu.sync_copy(ones_hbm, ones_v)
    pltpu.sync_copy(ei_hbm.at[1, pl.ds(wid * nch, nch)], didx)
    plsc.subcore_barrier()

    pltpu.async_copy(ones_v, acc.at[didx.at[0]], sem0, add=True)

    def pair(j, carry):
      i0 = 2 * j
      i1 = i0 + 1
      pltpu.async_copy(ones_v, acc.at[didx.at[i1]], sem1, add=True)
      pltpu.make_async_copy(ones_v, acc.at[didx.at[i0]], sem0).wait()
      pltpu.async_copy(ones_v, acc.at[didx.at[i0 + 2]], sem0, add=True)
      pltpu.make_async_copy(ones_v, acc.at[didx.at[i1]], sem1).wait()
      return carry

    lax.fori_loop(0, (nch - 1) // 2, pair, 0)
    pltpu.make_async_copy(ones_v, acc.at[didx.at[nch - 1]], sem0).wait()
    plsc.subcore_barrier()

    @pl.when(s == 0)
    def _out():
      pltpu.sync_copy(acc, out_hbm.at[c])

  return deg_kernel


def _make_agg_kernel(n_nodes, n_edges, d, ch, stage_src=False):
  ept = n_edges // NW
  nch = ept // ch
  rpt = n_nodes // NS

  scratch = [
      pltpu.VMEM_SHARED((n_nodes, d), jnp.float32),
      pltpu.VMEM((nch, ch), jnp.int32),
      pltpu.VMEM((nch, ch), jnp.int32),
      pltpu.VMEM((ch, d), jnp.float32),
      pltpu.VMEM((ch, d), jnp.float32),
      pltpu.SemaphoreType.DMA,
      pltpu.SemaphoreType.DMA,
      pltpu.SemaphoreType.DMA,
      pltpu.SemaphoreType.DMA,
  ]
  if stage_src:
    scratch.append(pltpu.VMEM_SHARED((n_nodes, d), jnp.float32))

  @functools.partial(
      pl.kernel,
      out_type=jax.ShapeDtypeStruct((NC, n_nodes, d), jnp.float32),
      mesh=_sc_mesh(),
      scratch_types=scratch,
      compiler_params=pltpu.CompilerParams(use_tc_tiling_on_sc=False,
                                           disable_bounds_checks=True),
  )
  def agg_kernel(y_hbm, ei_hbm, zeros_hbm, out_hbm,
                 acc, sidx, didx, rows0, rows1, sem0, sem1, ssem0, ssem1,
                 *maybe_ysp):
    c = lax.axis_index("c")
    s = lax.axis_index("s")
    wid = s * NC + c

    pltpu.sync_copy(zeros_hbm, acc.at[pl.ds(s * rpt, rpt)])
    pltpu.sync_copy(ei_hbm.at[0, pl.ds(wid * nch, nch)], sidx)
    pltpu.sync_copy(ei_hbm.at[1, pl.ds(wid * nch, nch)], didx)
    if stage_src:
      pltpu.sync_copy(y_hbm.at[pl.ds(s * rpt, rpt)],
                      maybe_ysp[0].at[pl.ds(s * rpt, rpt)])
      y_hbm = maybe_ysp[0]
    plsc.subcore_barrier()

    pltpu.async_copy(y_hbm.at[sidx.at[0]], rows0, sem0)

    def pair(j, carry):
      i0 = 2 * j
      i1 = i0 + 1
      pltpu.make_async_copy(y_hbm.at[sidx.at[i0]], rows0, sem0).wait()
      pltpu.async_copy(y_hbm.at[sidx.at[i1]], rows1, sem1)
      pltpu.async_copy(rows0, acc.at[didx.at[i0]], ssem0, add=True)
      pltpu.make_async_copy(y_hbm.at[sidx.at[i1]], rows1, sem1).wait()
      pltpu.async_copy(rows1, acc.at[didx.at[i1]], ssem1, add=True)
      pltpu.make_async_copy(rows0, acc.at[didx.at[i0]], ssem0).wait()
      pltpu.async_copy(y_hbm.at[sidx.at[i0 + 2]], rows0, sem0)
      pltpu.make_async_copy(rows1, acc.at[didx.at[i1]], ssem1).wait()
      return carry

    lax.fori_loop(0, (nch - 1) // 2, pair, 0)
    i_last = nch - 1
    pltpu.make_async_copy(y_hbm.at[sidx.at[i_last]], rows0, sem0).wait()
    pltpu.sync_copy(rows0, acc.at[didx.at[i_last]], add=True)
    plsc.subcore_barrier()

    pltpu.sync_copy(acc.at[pl.ds(s * rpt, rpt)],
                    out_hbm.at[c, pl.ds(s * rpt, rpt)])

  return agg_kernel


def _tc_prep(degp_ref, x_ref, y_ref):
  deg = degp_ref[0] + degp_ref[1] + 1.0
  y_ref[...] = lax.rsqrt(deg) * x_ref[...]


def _tc_mid(degp_ref, p_ref, y_ref, w1_ref, b1_ref, w2_ref, y2_ref):
  deg = degp_ref[0] + degp_ref[1] + 1.0
  dis = lax.rsqrt(deg)
  agg1 = dis * (p_ref[0] + p_ref[1] + y_ref[...])
  h1 = jnp.maximum(
      jnp.dot(agg1, w1_ref[...], preferred_element_type=jnp.float32)
      + b1_ref[...], 0.0)
  y2_ref[...] = dis * jnp.dot(h1, w2_ref[...],
                              preferred_element_type=jnp.float32)


def _tc_out(degp_ref, p_ref, y2_ref, b2_ref, o_ref):
  deg = degp_ref[0] + degp_ref[1] + 1.0
  dis = lax.rsqrt(deg)
  agg2 = dis * (p_ref[0] + p_ref[1] + y2_ref[...]) + b2_ref[...]
  m = jnp.max(agg2, axis=-1, keepdims=True)
  e = jnp.exp(agg2 - m)
  o_ref[...] = e / jnp.sum(e, axis=-1, keepdims=True)


def kernel(x, edge_index, W1, b1, W2, b2):
  n, d_in = x.shape
  e = edge_index.shape[1]
  d_hid = W1.shape[1]
  n_cls = W2.shape[1]

  ei32 = edge_index.astype(jnp.int32)
  ei3d = ei32.reshape(2, e // CH, CH)
  ei3s = ei32.reshape(2, e // CH_S, CH_S)

  ones_ch = jnp.ones((CH_S,), jnp.float32)
  zeros_n = jnp.zeros((n,), jnp.float32)
  zeros_1 = jnp.zeros((n // NS, d_in), jnp.float32)
  zeros_2 = jnp.zeros((n // NS, n_cls), jnp.float32)

  degp = _make_deg_kernel(n, e, CH_S)(ei3s, ones_ch, zeros_n)
  degp3 = degp.reshape(NC, n, 1)

  blk = 2000
  grid = (n // blk,)

  y = pl.pallas_call(
      _tc_prep,
      grid=grid,
      in_specs=[
          pl.BlockSpec((NC, blk, 1), lambda j: (0, j, 0)),
          pl.BlockSpec((blk, d_in), lambda j: (j, 0)),
      ],
      out_specs=pl.BlockSpec((blk, d_in), lambda j: (j, 0)),
      out_shape=jax.ShapeDtypeStruct((n, d_in), jnp.float32),
  )(degp3, x)

  part1 = _make_agg_kernel(n, e, d_in, CH)(y, ei3d, zeros_1)

  y2 = pl.pallas_call(
      _tc_mid,
      grid=grid,
      in_specs=[
          pl.BlockSpec((NC, blk, 1), lambda j: (0, j, 0)),
          pl.BlockSpec((NC, blk, d_in), lambda j: (0, j, 0)),
          pl.BlockSpec((blk, d_in), lambda j: (j, 0)),
          pl.BlockSpec((d_in, d_hid), lambda j: (0, 0)),
          pl.BlockSpec((1, d_hid), lambda j: (0, 0)),
          pl.BlockSpec((d_hid, n_cls), lambda j: (0, 0)),
      ],
      out_specs=pl.BlockSpec((blk, n_cls), lambda j: (j, 0)),
      out_shape=jax.ShapeDtypeStruct((n, n_cls), jnp.float32),
  )(degp3, part1, y, W1, b1.reshape(1, d_hid), W2)

  part2 = _make_agg_kernel(n, e, n_cls, CH_S, stage_src=True)(
      y2, ei3s, zeros_2)

  out = pl.pallas_call(
      _tc_out,
      grid=grid,
      in_specs=[
          pl.BlockSpec((NC, blk, 1), lambda j: (0, j, 0)),
          pl.BlockSpec((NC, blk, n_cls), lambda j: (0, j, 0)),
          pl.BlockSpec((blk, n_cls), lambda j: (j, 0)),
          pl.BlockSpec((1, n_cls), lambda j: (0, 0)),
      ],
      out_specs=pl.BlockSpec((blk, n_cls), lambda j: (j, 0)),
      out_shape=jax.ShapeDtypeStruct((n, n_cls), jnp.float32),
  )(degp3, part2, y2, b2.reshape(1, n_cls))

  return out

# --- scband reference (transcript-rebuilt; emitter-appended) ---
"""Pipeline reference for scband-gnnmodel-30142080483987 (READ-ONLY COPY).

The authoritative reference and input builder live on the scoring server;
editing this copy changes nothing except your own understanding.
"""

import jax, jax.numpy as jnp
import numpy as np

N = 10000
E = 320000
D_IN = 128
D_HID = 128
N_CLS = 16


def setup_inputs(seed: int = 0) -> dict:
    key = jax.random.key(seed)
    k1, k2, k3, k4, k5, k6 = jax.random.split(key, 6)
    x = jax.random.normal(k1, (N, D_IN), dtype=jnp.float32)
    edge_index = jax.random.randint(k2, (2, E), 0, N, dtype=jnp.int64)
    W1 = jax.random.normal(k3, (D_IN, D_HID), dtype=jnp.float32) * (1.0 / np.sqrt(D_IN))
    b1 = jnp.zeros((D_HID,), dtype=jnp.float32)
    W2 = jax.random.normal(k4, (D_HID, N_CLS), dtype=jnp.float32) * (1.0 / np.sqrt(D_HID))
    b2 = jnp.zeros((N_CLS,), dtype=jnp.float32)
    return {"x": x, "edge_index": edge_index, "W1": W1, "b1": b1, "W2": W2, "b2": b2}


def _gcn_conv(x, edge_index, W, b):
    # Faithful PyG GCNConv: linear transform, add self-loops, symmetric norm, scatter-add, bias
    n = x.shape[0]
    h = x @ W
    loop = jnp.arange(n, dtype=edge_index.dtype)
    src = jnp.concatenate([edge_index[0], loop])
    dst = jnp.concatenate([edge_index[1], loop])
    deg = jax.ops.segment_sum(jnp.ones_like(src, dtype=h.dtype), dst, num_segments=n)
    deg_inv_sqrt = jnp.where(deg > 0, jax.lax.rsqrt(jnp.where(deg > 0, deg, 1.0)), 0.0)
    norm = deg_inv_sqrt[src] * deg_inv_sqrt[dst]
    msg = h[src] * norm[:, None]
    out = jax.ops.segment_sum(msg, dst, num_segments=n)
    return out + b


def reference(x, edge_index, W1, b1, W2, b2):
    h = _gcn_conv(x, edge_index, W1, b1)
    h = jax.nn.relu(h)
    out = _gcn_conv(h, edge_index, W2, b2)
    return jax.nn.softmax(out, axis=-1)

if __name__ == "__main__":
    import jax
    _d = setup_inputs()
    print(jax.jit(kernel)(*tuple(_d.values())))

</pallas_src>

<mosaic_0001>
#map = affine_map<(d0, d1) -> (0, 0, 0)>
#map1 = affine_map<(d0, d1) -> (0)>
#map2 = affine_map<(d0, d1) -> (0, 0)>
module attributes {stable_mosaic.version = 14 : i64} {
  func.func @deg_kernel(%arg0: i32, %arg1: i32, %arg2: memref<2x800x400xi32, #tpu.memory_space<hbm>>, %arg3: memref<400xf32, #tpu.memory_space<hbm>>, %arg4: memref<10000xf32, #tpu.memory_space<hbm>>, %arg5: memref<2x10000xf32, #tpu.memory_space<hbm>>, %arg6: memref<10000xf32, #tpu.memory_space<vmem_shared>>, %arg7: memref<25x400xi32, #tpu.memory_space<vmem>>, %arg8: memref<400xf32, #tpu.memory_space<vmem>>, %arg9: memref<!tpu.dma_semaphore, #tpu.memory_space<semaphore_mem>>, %arg10: memref<!tpu.dma_semaphore, #tpu.memory_space<semaphore_mem>>) attributes {dimension_semantics = [#tpu.dimension_semantics<core_parallel>, #tpu.dimension_semantics<subcore_parallel>], iteration_bounds = array<i64: 2, 16>, scalar_prefetch = 0 : i64, scratch_operands = 5 : i64, tpu.core_type = #tpu.core_type<sc_vector_subcore>, window_params = [{transform_indices = #map}, {transform_indices = #map1}, {transform_indices = #map1}, {transform_indices = #map2}]} {
    %mul3A = arith.constant 2 : i32
    %mul3A_0 = arith.muli %arg1, %mul3A : i32
    %add3A = arith.addi %mul3A_0, %arg0 : i32
    %eq3A = arith.constant 0 : i32
    %eq3A_1 = arith.cmpi eq, %arg1, %eq3A : i32
    %convert_element_type3A = arith.extui %eq3A_1 : i1 to i32
    %cond3A = arith.constant 0 : i32
    %cond3A_2 = arith.cmpi ne, %convert_element_type3A, %cond3A : i32
    scf.if %cond3A_2 {
      "tpu.region"() ({
        %run_scoped3A_26 = tpu.sem_alloc : memref<!tpu.dma_semaphore, #tpu.memory_space<semaphore_mem>>
        tpu.enqueue_dma source(%arg4 : memref<10000xf32, #tpu.memory_space<hbm>>) target(%arg6 : memref<10000xf32, #tpu.memory_space<vmem_shared>>) target_semaphore(%run_scoped3A_26 : memref<!tpu.dma_semaphore, #tpu.memory_space<semaphore_mem>>)
        tpu.wait_dma2 semaphore(%run_scoped3A_26 : memref<!tpu.dma_semaphore, #tpu.memory_space<semaphore_mem>>) src(%arg4 : memref<10000xf32, #tpu.memory_space<hbm>>) dst(%arg6 : memref<10000xf32, #tpu.memory_space<vmem_shared>>)
        tpu.yield
      }) : () -> ()
    } else {
    }
    "tpu.region"() ({
      %run_scoped3A_26 = tpu.sem_alloc : memref<!tpu.dma_semaphore, #tpu.memory_space<semaphore_mem>>
      tpu.enqueue_dma source(%arg3 : memref<400xf32, #tpu.memory_space<hbm>>) target(%arg8 : memref<400xf32, #tpu.memory_space<vmem>>) target_semaphore(%run_scoped3A_26 : memref<!tpu.dma_semaphore, #tpu.memory_space<semaphore_mem>>)
      tpu.wait_dma2 semaphore(%run_scoped3A_26 : memref<!tpu.dma_semaphore, #tpu.memory_space<semaphore_mem>>) src(%arg3 : memref<400xf32, #tpu.memory_space<hbm>>) dst(%arg8 : memref<400xf32, #tpu.memory_space<vmem>>)
      tpu.yield
    }) : () -> ()
    %mul3A_3 = arith.constant 25 : i32
    %mul3A_4 = arith.muli %add3A, %mul3A_3 : i32
    %run_scoped3A = arith.constant 1 : i32
    "tpu.region"() ({
      %run_scoped3A_26 = tpu.sem_alloc : memref<!tpu.dma_semaphore, #tpu.memory_space<semaphore_mem>>
      %dma_start3A_27 = arith.constant 0 : i32
      %dma_start3A_28 = tpu.memref_slice %arg2[%run_scoped3A, %mul3A_4, %dma_start3A_27] : memref<2x800x400xi32, #tpu.memory_space<hbm>> -> memref<1x25x400xi32, #tpu.memory_space<hbm>>
      %dma_start3A_29 = tpu.memref_squeeze %dma_start3A_28 : memref<1x25x400xi32, #tpu.memory_space<hbm>> -> memref<25x400xi32, #tpu.memory_space<hbm>>
      %dma_start3A_30 = arith.constant 0 : i32
      %dma_start3A_31 = tpu.memref_slice %arg2[%run_scoped3A, %mul3A_4, %dma_start3A_30] : memref<2x800x400xi32, #tpu.memory_space<hbm>> -> memref<1x25x400xi32, #tpu.memory_space<hbm>>
      %dma_start3A_32 = tpu.memref_squeeze %dma_start3A_31 : memref<1x25x400xi32, #tpu.memory_space<hbm>> -> memref<25x400xi32, #tpu.memory_space<hbm>>
      tpu.enqueue_dma source(%dma_start3A_32 : memref<25x400xi32, #tpu.memory_space<hbm>>) target(%arg7 : memref<25x400xi32, #tpu.memory_space<vmem>>) target_semaphore(%run_scoped3A_26 : memref<!tpu.dma_semaphore, #tpu.memory_space<semaphore_mem>>)
      %dma_wait3A_33 = arith.constant 0 : i32
      %dma_wait3A_34 = tpu.memref_slice %arg2[%run_scoped3A, %mul3A_4, %dma_wait3A_33] : memref<2x800x400xi32, #tpu.memory_space<hbm>> -> memref<1x25x400xi32, #tpu.memory_space<hbm>>
      %dma_wait3A_35 = tpu.memref_squeeze %dma_wait3A_34 : memref<1x25x400xi32, #tpu.memory_space<hbm>> -> memref<25x400xi32, #tpu.memory_space<hbm>>
      %dma_wait3A_36 = arith.constant 0 : i32
      %dma_wait3A_37 = tpu.memref_slice %arg2[%run_scoped3A, %mul3A_4, %dma_wait3A_36] : memref<2x800x400xi32, #tpu.memory_space<hbm>> -> memref<1x25x400xi32, #tpu.memory_space<hbm>>
      %dma_wait3A_38 = tpu.memref_squeeze %dma_wait3A_37 : memref<1x25x400xi32, #tpu.memory_space<hbm>> -> memref<25x400xi32, #tpu.memory_space<hbm>>
      tpu.wait_dma2 semaphore(%run_scoped3A_26 : memref<!tpu.dma_semaphore, #tpu.memory_space<semaphore_mem>>) src(%dma_wait3A_38 : memref<25x400xi32, #tpu.memory_space<hbm>>) dst(%arg7 : memref<25x400xi32, #tpu.memory_space<vmem>>)
      tpu.yield
    }) : () -> ()
    %barrier3A = arith.constant 0 : index
    tpu.barrier barrier_id(%barrier3A)
    %dma_start3A = arith.constant 0 : i32
    %dma_start3A_5 = arith.constant 0 : i32
    %dma_start3A_6 = tpu.memref_slice %arg7[%dma_start3A, %dma_start3A_5] : memref<25x400xi32, #tpu.memory_space<vmem>> -> memref<1x400xi32, #tpu.memory_space<vmem>>
    %dma_start3A_7 = tpu.memref_squeeze %dma_start3A_6 : memref<1x400xi32, #tpu.memory_space<vmem>> -> memref<400xi32, #tpu.memory_space<vmem>>
    %dma_start3A_8 = arith.constant 0 : i32
    %dma_start3A_9 = tpu.memref_slice %arg6[%dma_start3A_8] : memref<10000xf32, #tpu.memory_space<vmem_shared>> -> memref<10000xf32, #tpu.memory_space<vmem_shared>>
    tpu.enqueue_indirect_dma source(%arg8 : memref<400xf32, #tpu.memory_space<vmem>>) target(%dma_start3A_9 : memref<10000xf32, #tpu.memory_space<vmem_shared>>) offsets(%dma_start3A_7 : memref<400xi32, #tpu.memory_space<vmem>>) semaphore(%arg9 : memref<!tpu.dma_semaphore, #tpu.memory_space<semaphore_mem>>) {add = true}
    %scan3A = arith.constant 0 : i32
    %scan3A_10 = arith.constant 0 : i32
    %scan3A_11 = arith.constant 12 : i32
    %scan3A_12 = arith.addi %scan3A_10, %scan3A_11 : i32
    %scan3A_13 = arith.constant 1 : i32
    scf.for %scan3A_26 = %scan3A_10 to %scan3A_12 step %scan3A_13  : i32 {
      %mul3A_27 = arith.constant 2 : i32
      %mul3A_28 = arith.muli %mul3A_27, %scan3A_26 : i32
      %add3A_29 = arith.constant 1 : i32
      %add3A_30 = arith.addi %mul3A_28, %add3A_29 : i32
      %dma_start3A_31 = arith.constant 0 : i32
      %dma_start3A_32 = tpu.memref_slice %arg7[%add3A_30, %dma_start3A_31] : memref<25x400xi32, #tpu.memory_space<vmem>> -> memref<1x400xi32, #tpu.memory_space<vmem>>
      %dma_start3A_33 = tpu.memref_squeeze %dma_start3A_32 : memref<1x400xi32, #tpu.memory_space<vmem>> -> memref<400xi32, #tpu.memory_space<vmem>>
      %dma_start3A_34 = arith.constant 0 : i32
      %dma_start3A_35 = tpu.memref_slice %arg6[%dma_start3A_34] : memref<10000xf32, #tpu.memory_space<vmem_shared>> -> memref<10000xf32, #tpu.memory_space<vmem_shared>>
      tpu.enqueue_indirect_dma source(%arg8 : memref<400xf32, #tpu.memory_space<vmem>>) target(%dma_start3A_35 : memref<10000xf32, #tpu.memory_space<vmem_shared>>) offsets(%dma_start3A_33 : memref<400xi32, #tpu.memory_space<vmem>>) semaphore(%arg10 : memref<!tpu.dma_semaphore, #tpu.memory_space<semaphore_mem>>) {add = true}
      %dma_wait3A_36 = arith.constant 0 : i32
      %dma_wait3A_37 = tpu.memref_slice %arg7[%mul3A_28, %dma_wait3A_36] : memref<25x400xi32, #tpu.memory_space<vmem>> -> memref<1x400xi32, #tpu.memory_space<vmem>>
      %dma_wait3A_38 = tpu.memref_squeeze %dma_wait3A_37 : memref<1x400xi32, #tpu.memory_space<vmem>> -> memref<400xi32, #tpu.memory_space<vmem>>
      %dma_wait3A_39 = arith.constant 0 : i32
      %dma_wait3A_40 = tpu.memref_slice %arg6[%dma_wait3A_39] : memref<10000xf32, #tpu.memory_space<vmem_shared>> -> memref<10000xf32, #tpu.memory_space<vmem_shared>>
      tpu.wait_indirect_dma semaphore(%arg9 : memref<!tpu.dma_semaphore, #tpu.memory_space<semaphore_mem>>) src(%arg8 : memref<400xf32, #tpu.memory_space<vmem>>) dst(%dma_wait3A_40 : memref<10000xf32, #tpu.memory_space<vmem_shared>>)
      %add3A_41 = arith.constant 2 : i32
      %add3A_42 = arith.addi %mul3A_28, %add3A_41 : i32
      %dma_start3A_43 = arith.constant 0 : i32
      %dma_start3A_44 = tpu.memref_slice %arg7[%add3A_42, %dma_start3A_43] : memref<25x400xi32, #tpu.memory_space<vmem>> -> memref<1x400xi32, #tpu.memory_space<vmem>>
      %dma_start3A_45 = tpu.memref_squeeze %dma_start3A_44 : memref<1x400xi32, #tpu.memory_space<vmem>> -> memref<400xi32, #tpu.memory_space<vmem>>
      %dma_start3A_46 = arith.constant 0 : i32
      %dma_start3A_47 = tpu.memref_slice %arg6[%dma_start3A_46] : memref<10000xf32, #tpu.memory_space<vmem_shared>> -> memref<10000xf32, #tpu.memory_space<vmem_shared>>
      tpu.enqueue_indirect_dma source(%arg8 : memref<400xf32, #tpu.memory_space<vmem>>) target(%dma_start3A_47 : memref<10000xf32, #tpu.memory_space<vmem_shared>>) offsets(%dma_start3A_45 : memref<400xi32, #tpu.memory_space<vmem>>) semaphore(%arg9 : memref<!tpu.dma_semaphore, #tpu.memory_space<semaphore_mem>>) {add = true}
      %dma_wait3A_48 = arith.constant 0 : i32
      %dma_wait3A_49 = tpu.memref_slice %arg7[%add3A_30, %dma_wait3A_48] : memref<25x400xi32, #tpu.memory_space<vmem>> -> memref<1x400xi32, #tpu.memory_space<vmem>>
      %dma_wait3A_50 = tpu.memref_squeeze %dma_wait3A_49 : memref<1x400xi32, #tpu.memory_space<vmem>> -> memref<400xi32, #tpu.memory_space<vmem>>
      %dma_wait3A_51 = arith.constant 0 : i32
      %dma_wait3A_52 = tpu.memref_slice %arg6[%dma_wait3A_51] : memref<10000xf32, #tpu.memory_space<vmem_shared>> -> memref<10000xf32, #tpu.memory_space<vmem_shared>>
      tpu.wait_indirect_dma semaphore(%arg10 : memref<!tpu.dma_semaphore, #tpu.memory_space<semaphore_mem>>) src(%arg8 : memref<400xf32, #tpu.memory_space<vmem>>) dst(%dma_wait3A_52 : memref<10000xf32, #tpu.memory_space<vmem_shared>>)
    }
    %scan3A_14 = arith.constant 12 : i32
    %dma_wait3A = arith.constant 24 : i32
    %dma_wait3A_15 = arith.constant 0 : i32
    %dma_wait3A_16 = tpu.memref_slice %arg7[%dma_wait3A, %dma_wait3A_15] : memref<25x400xi32, #tpu.memory_space<vmem>> -> memref<1x400xi32, #tpu.memory_space<vmem>>
    %dma_wait3A_17 = tpu.memref_squeeze %dma_wait3A_16 : memref<1x400xi32, #tpu.memory_space<vmem>> -> memref<400xi32, #tpu.memory_space<vmem>>
    %dma_wait3A_18 = arith.constant 0 : i32
    %dma_wait3A_19 = tpu.memref_slice %arg6[%dma_wait3A_18] : memref<10000xf32, #tpu.memory_space<vmem_shared>> -> memref<10000xf32, #tpu.memory_space<vmem_shared>>
    tpu.wait_indirect_dma semaphore(%arg9 : memref<!tpu.dma_semaphore, #tpu.memory_space<semaphore_mem>>) src(%arg8 : memref<400xf32, #tpu.memory_space<vmem>>) dst(%dma_wait3A_19 : memref<10000xf32, #tpu.memory_space<vmem_shared>>)
    %barrier3A_20 = arith.constant 0 : index
    tpu.barrier barrier_id(%barrier3A_20)
    %eq3A_21 = arith.constant 0 : i32
    %eq3A_22 = arith.cmpi eq, %arg1, %eq3A_21 : i32
    %convert_element_type3A_23 = arith.extui %eq3A_22 : i1 to i32
    %cond3A_24 = arith.constant 0 : i32
    %cond3A_25 = arith.cmpi ne, %convert_element_type3A_23, %cond3A_24 : i32
    scf.if %cond3A_25 {
      "tpu.region"() ({
        %run_scoped3A_26 = tpu.sem_alloc : memref<!tpu.dma_semaphore, #tpu.memory_space<semaphore_mem>>
        %dma_start3A_27 = arith.constant 0 : i32
        %dma_start3A_28 = tpu.memref_slice %arg5[%arg0, %dma_start3A_27] : memref<2x10000xf32, #tpu.memory_space<hbm>> -> memref<1x10000xf32, #tpu.memory_space<hbm>>
        %dma_start3A_29 = tpu.memref_squeeze %dma_start3A_28 : memref<1x10000xf32, #tpu.memory_space<hbm>> -> memref<10000xf32, #tpu.memory_space<hbm>>
        tpu.enqueue_dma source(%arg6 : memref<10000xf32, #tpu.memory_space<vmem_shared>>) target(%dma_start3A_29 : memref<10000xf32, #tpu.memory_space<hbm>>) target_semaphore(%run_scoped3A_26 : memref<!tpu.dma_semaphore, #tpu.memory_space<semaphore_mem>>)
        %dma_wait3A_30 = arith.constant 0 : i32
        %dma_wait3A_31 = tpu.memref_slice %arg5[%arg0, %dma_wait3A_30] : memref<2x10000xf32, #tpu.memory_space<hbm>> -> memref<1x10000xf32, #tpu.memory_space<hbm>>
        %dma_wait3A_32 = tpu.memref_squeeze %dma_wait3A_31 : memref<1x10000xf32, #tpu.memory_space<hbm>> -> memref<10000xf32, #tpu.memory_space<hbm>>
        tpu.wait_dma2 semaphore(%run_scoped3A_26 : memref<!tpu.dma_semaphore, #tpu.memory_space<semaphore_mem>>) src(%arg6 : memref<10000xf32, #tpu.memory_space<vmem_shared>>) dst(%dma_wait3A_32 : memref<10000xf32, #tpu.memory_space<hbm>>)
        tpu.yield
      }) : () -> ()
    } else {
    }
    return
  }
}

#map = affine_map<(d0, d1) -> (0, 0)>
#map1 = affine_map<(d0, d1) -> (0, 0, 0)>
module attributes {stable_mosaic.version = 14 : i64} {
  func.func @agg_kernel(%arg0: i32, %arg1: i32, %arg2: memref<10000x16xf32, #tpu.memory_space<hbm>>, %arg3: memref<2x800x400xi32, #tpu.memory_space<hbm>>, %arg4: memref<625x16xf32, #tpu.memory_space<hbm>>, %arg5: memref<2x10000x16xf32, #tpu.memory_space<hbm>>, %arg6: memref<10000x16xf32, #tpu.memory_space<vmem_shared>>, %arg7: memref<25x400xi32, #tpu.memory_space<vmem>>, %arg8: memref<25x400xi32, #tpu.memory_space<vmem>>, %arg9: memref<400x16xf32, #tpu.memory_space<vmem>>, %arg10: memref<400x16xf32, #tpu.memory_space<vmem>>, %arg11: memref<!tpu.dma_semaphore, #tpu.memory_space<semaphore_mem>>, %arg12: memref<!tpu.dma_semaphore, #tpu.memory_space<semaphore_mem>>, %arg13: memref<!tpu.dma_semaphore, #tpu.memory_space<semaphore_mem>>, %arg14: memref<!tpu.dma_semaphore, #tpu.memory_space<semaphore_mem>>, %arg15: memref<10000x16xf32, #tpu.memory_space<vmem_shared>>) attributes {dimension_semantics = [#tpu.dimension_semantics<core_parallel>, #tpu.dimension_semantics<subcore_parallel>], iteration_bounds = array<i64: 2, 16>, scalar_prefetch = 0 : i64, scratch_operands = 10 : i64, tpu.core_type = #tpu.core_type<sc_vector_subcore>, window_params = [{transform_indices = #map}, {transform_indices = #map1}, {transform_indices = #map}, {transform_indices = #map1}]} {
    %mul3A = arith.constant 2 : i32
    %mul3A_0 = arith.muli %arg1, %mul3A : i32
    %add3A = arith.addi %mul3A_0, %arg0 : i32
    %mul3A_1 = arith.constant 625 : i32
    %mul3A_2 = arith.muli %arg1, %mul3A_1 : i32
    "tpu.region"() ({
      %run_scoped3A_35 = tpu.sem_alloc : memref<!tpu.dma_semaphore, #tpu.memory_space<semaphore_mem>>
      %dma_start3A_36 = arith.constant 0 : i32
      %dma_start3A_37 = tpu.memref_slice %arg6[%mul3A_2, %dma_start3A_36] : memref<10000x16xf32, #tpu.memory_space<vmem_shared>> -> memref<625x16xf32, #tpu.memory_space<vmem_shared>>
      tpu.enqueue_dma source(%arg4 : memref<625x16xf32, #tpu.memory_space<hbm>>) target(%dma_start3A_37 : memref<625x16xf32, #tpu.memory_space<vmem_shared>>) target_semaphore(%run_scoped3A_35 : memref<!tpu.dma_semaphore, #tpu.memory_space<semaphore_mem>>)
      %dma_wait3A_38 = arith.constant 0 : i32
      %dma_wait3A_39 = tpu.memref_slice %arg6[%mul3A_2, %dma_wait3A_38] : memref<10000x16xf32, #tpu.memory_space<vmem_shared>> -> memref<625x16xf32, #tpu.memory_space<vmem_shared>>
      tpu.wait_dma2 semaphore(%run_scoped3A_35 : memref<!tpu.dma_semaphore, #tpu.memory_space<semaphore_mem>>) src(%arg4 : memref<625x16xf32, #tpu.memory_space<hbm>>) dst(%dma_wait3A_39 : memref<625x16xf32, #tpu.memory_space<vmem_shared>>)
      tpu.yield
    }) : () -> ()
    %mul3A_3 = arith.constant 25 : i32
    %mul3A_4 = arith.muli %add3A, %mul3A_3 : i32
    %run_scoped3A = arith.constant 0 : i32
    "tpu.region"() ({
      %run_scoped3A_35 = tpu.sem_alloc : memref<!tpu.dma_semaphore, #tpu.memory_space<semaphore_mem>>
      %dma_start3A_36 = arith.constant 0 : i32
      %dma_start3A_37 = tpu.memref_slice %arg3[%run_scoped3A, %mul3A_4, %dma_start3A_36] : memref<2x800x400xi32, #tpu.memory_space<hbm>> -> memref<1x25x400xi32, #tpu.memory_space<hbm>>
      %dma_start3A_38 = tpu.memref_squeeze %dma_start3A_37 : memref<1x25x400xi32, #tpu.memory_space<hbm>> -> memref<25x400xi32, #tpu.memory_space<hbm>>
      %dma_start3A_39 = arith.constant 0 : i32
      %dma_start3A_40 = tpu.memref_slice %arg3[%run_scoped3A, %mul3A_4, %dma_start3A_39] : memref<2x800x400xi32, #tpu.memory_space<hbm>> -> memref<1x25x400xi32, #tpu.memory_space<hbm>>
      %dma_start3A_41 = tpu.memref_squeeze %dma_start3A_40 : memref<1x25x400xi32, #tpu.memory_space<hbm>> -> memref<25x400xi32, #tpu.memory_space<hbm>>
      tpu.enqueue_dma source(%dma_start3A_41 : memref<25x400xi32, #tpu.memory_space<hbm>>) target(%arg7 : memref<25x400xi32, #tpu.memory_space<vmem>>) target_semaphore(%run_scoped3A_35 : memref<!tpu.dma_semaphore, #tpu.memory_space<semaphore_mem>>)
      %dma_wait3A_42 = arith.constant 0 : i32
      %dma_wait3A_43 = tpu.memref_slice %arg3[%run_scoped3A, %mul3A_4, %dma_wait3A_42] : memref<2x800x400xi32, #tpu.memory_space<hbm>> -> memref<1x25x400xi32, #tpu.memory_space<hbm>>
      %dma_wait3A_44 = tpu.memref_squeeze %dma_wait3A_43 : memref<1x25x400xi32, #tpu.memory_space<hbm>> -> memref<25x400xi32, #tpu.memory_space<hbm>>
      %dma_wait3A_45 = arith.constant 0 : i32
      %dma_wait3A_46 = tpu.memref_slice %arg3[%run_scoped3A, %mul3A_4, %dma_wait3A_45] : memref<2x800x400xi32, #tpu.memory_space<hbm>> -> memref<1x25x400xi32, #tpu.memory_space<hbm>>
      %dma_wait3A_47 = tpu.memref_squeeze %dma_wait3A_46 : memref<1x25x400xi32, #tpu.memory_space<hbm>> -> memref<25x400xi32, #tpu.memory_space<hbm>>
      tpu.wait_dma2 semaphore(%run_scoped3A_35 : memref<!tpu.dma_semaphore, #tpu.memory_space<semaphore_mem>>) src(%dma_wait3A_47 : memref<25x400xi32, #tpu.memory_space<hbm>>) dst(%arg7 : memref<25x400xi32, #tpu.memory_space<vmem>>)
      tpu.yield
    }) : () -> ()
    %mul3A_5 = arith.constant 25 : i32
    %mul3A_6 = arith.muli %add3A, %mul3A_5 : i32
    %run_scoped3A_7 = arith.constant 1 : i32
    "tpu.region"() ({
      %run_scoped3A_35 = tpu.sem_alloc : memref<!tpu.dma_semaphore, #tpu.memory_space<semaphore_mem>>
      %dma_start3A_36 = arith.constant 0 : i32
      %dma_start3A_37 = tpu.memref_slice %arg3[%run_scoped3A_7, %mul3A_6, %dma_start3A_36] : memref<2x800x400xi32, #tpu.memory_space<hbm>> -> memref<1x25x400xi32, #tpu.memory_space<hbm>>
      %dma_start3A_38 = tpu.memref_squeeze %dma_start3A_37 : memref<1x25x400xi32, #tpu.memory_space<hbm>> -> memref<25x400xi32, #tpu.memory_space<hbm>>
      %dma_start3A_39 = arith.constant 0 : i32
      %dma_start3A_40 = tpu.memref_slice %arg3[%run_scoped3A_7, %mul3A_6, %dma_start3A_39] : memref<2x800x400xi32, #tpu.memory_space<hbm>> -> memref<1x25x400xi32, #tpu.memory_space<hbm>>
      %dma_start3A_41 = tpu.memref_squeeze %dma_start3A_40 : memref<1x25x400xi32, #tpu.memory_space<hbm>> -> memref<25x400xi32, #tpu.memory_space<hbm>>
      tpu.enqueue_dma source(%dma_start3A_41 : memref<25x400xi32, #tpu.memory_space<hbm>>) target(%arg8 : memref<25x400xi32, #tpu.memory_space<vmem>>) target_semaphore(%run_scoped3A_35 : memref<!tpu.dma_semaphore, #tpu.memory_space<semaphore_mem>>)
      %dma_wait3A_42 = arith.constant 0 : i32
      %dma_wait3A_43 = tpu.memref_slice %arg3[%run_scoped3A_7, %mul3A_6, %dma_wait3A_42] : memref<2x800x400xi32, #tpu.memory_space<hbm>> -> memref<1x25x400xi32, #tpu.memory_space<hbm>>
      %dma_wait3A_44 = tpu.memref_squeeze %dma_wait3A_43 : memref<1x25x400xi32, #tpu.memory_space<hbm>> -> memref<25x400xi32, #tpu.memory_space<hbm>>
      %dma_wait3A_45 = arith.constant 0 : i32
      %dma_wait3A_46 = tpu.memref_slice %arg3[%run_scoped3A_7, %mul3A_6, %dma_wait3A_45] : memref<2x800x400xi32, #tpu.memory_space<hbm>> -> memref<1x25x400xi32, #tpu.memory_space<hbm>>
      %dma_wait3A_47 = tpu.memref_squeeze %dma_wait3A_46 : memref<1x25x400xi32, #tpu.memory_space<hbm>> -> memref<25x400xi32, #tpu.memory_space<hbm>>
      tpu.wait_dma2 semaphore(%run_scoped3A_35 : memref<!tpu.dma_semaphore, #tpu.memory_space<semaphore_mem>>) src(%dma_wait3A_47 : memref<25x400xi32, #tpu.memory_space<hbm>>) dst(%arg8 : memref<25x400xi32, #tpu.memory_space<vmem>>)
      tpu.yield
    }) : () -> ()
    %mul3A_8 = arith.constant 625 : i32
    %mul3A_9 = arith.muli %arg1, %mul3A_8 : i32
    %mul3A_10 = arith.constant 625 : i32
    %mul3A_11 = arith.muli %arg1, %mul3A_10 : i32
    "tpu.region"() ({
      %run_scoped3A_35 = tpu.sem_alloc : memref<!tpu.dma_semaphore, #tpu.memory_space<semaphore_mem>>
      %dma_start3A_36 = arith.constant 0 : i32
      %dma_start3A_37 = tpu.memref_slice %arg15[%mul3A_11, %dma_start3A_36] : memref<10000x16xf32, #tpu.memory_space<vmem_shared>> -> memref<625x16xf32, #tpu.memory_space<vmem_shared>>
      %dma_start3A_38 = arith.constant 0 : i32
      %dma_start3A_39 = tpu.memref_slice %arg2[%mul3A_9, %dma_start3A_38] : memref<10000x16xf32, #tpu.memory_space<hbm>> -> memref<625x16xf32, #tpu.memory_space<hbm>>
      tpu.enqueue_dma source(%dma_start3A_39 : memref<625x16xf32, #tpu.memory_space<hbm>>) target(%dma_start3A_37 : memref<625x16xf32, #tpu.memory_space<vmem_shared>>) target_semaphore(%run_scoped3A_35 : memref<!tpu.dma_semaphore, #tpu.memory_space<semaphore_mem>>)
      %dma_wait3A_40 = arith.constant 0 : i32
      %dma_wait3A_41 = tpu.memref_slice %arg15[%mul3A_11, %dma_wait3A_40] : memref<10000x16xf32, #tpu.memory_space<vmem_shared>> -> memref<625x16xf32, #tpu.memory_space<vmem_shared>>
      %dma_wait3A_42 = arith.constant 0 : i32
      %dma_wait3A_43 = tpu.memref_slice %arg2[%mul3A_9, %dma_wait3A_42] : memref<10000x16xf32, #tpu.memory_space<hbm>> -> memref<625x16xf32, #tpu.memory_space<hbm>>
      tpu.wait_dma2 semaphore(%run_scoped3A_35 : memref<!tpu.dma_semaphore, #tpu.memory_space<semaphore_mem>>) src(%dma_wait3A_43 : memref<625x16xf32, #tpu.memory_space<hbm>>) dst(%dma_wait3A_41 : memref<625x16xf32, #tpu.memory_space<vmem_shared>>)
      tpu.yield
    }) : () -> ()
    %barrier3A = arith.constant 0 : index
    tpu.barrier barrier_id(%barrier3A)
    %dma_start3A = arith.constant 0 : i32
    %dma_start3A_12 = arith.constant 0 : i32
    %dma_start3A_13 = tpu.memref_slice %arg7[%dma_start3A, %dma_start3A_12] : memref<25x400xi32, #tpu.memory_space<vmem>> -> memref<1x400xi32, #tpu.memory_space<vmem>>
    %dma_start3A_14 = tpu.memref_squeeze %dma_start3A_13 : memref<1x400xi32, #tpu.memory_space<vmem>> -> memref<400xi32, #tpu.memory_space<vmem>>
    %dma_start3A_15 = arith.constant 0 : i32
    %dma_start3A_16 = arith.constant 0 : i32
    %dma_start3A_17 = tpu.memref_slice %arg15[%dma_start3A_15, %dma_start3A_16] : memref<10000x16xf32, #tpu.memory_space<vmem_shared>> -> memref<10000x16xf32, #tpu.memory_space<vmem_shared>>
    tpu.enqueue_indirect_dma source(%dma_start3A_17 : memref<10000x16xf32, #tpu.memory_space<vmem_shared>>) target(%arg9 : memref<400x16xf32, #tpu.memory_space<vmem>>) offsets(%dma_start3A_14 : memref<400xi32, #tpu.memory_space<vmem>>) semaphore(%arg11 : memref<!tpu.dma_semaphore, #tpu.memory_space<semaphore_mem>>)
    %scan3A = arith.constant 0 : i32
    %scan3A_18 = arith.constant 0 : i32
    %scan3A_19 = arith.constant 12 : i32
    %scan3A_20 = arith.addi %scan3A_18, %scan3A_19 : i32
    %scan3A_21 = arith.constant 1 : i32
    scf.for %scan3A_35 = %scan3A_18 to %scan3A_20 step %scan3A_21  : i32 {
      %mul3A_36 = arith.constant 2 : i32
      %mul3A_37 = arith.muli %mul3A_36, %scan3A_35 : i32
      %add3A_38 = arith.constant 1 : i32
      %add3A_39 = arith.addi %mul3A_37, %add3A_38 : i32
      %dma_wait3A_40 = arith.constant 0 : i32
      %dma_wait3A_41 = tpu.memref_slice %arg7[%mul3A_37, %dma_wait3A_40] : memref<25x400xi32, #tpu.memory_space<vmem>> -> memref<1x400xi32, #tpu.memory_space<vmem>>
      %dma_wait3A_42 = tpu.memref_squeeze %dma_wait3A_41 : memref<1x400xi32, #tpu.memory_space<vmem>> -> memref<400xi32, #tpu.memory_space<vmem>>
      %dma_wait3A_43 = arith.constant 0 : i32
      %dma_wait3A_44 = arith.constant 0 : i32
      %dma_wait3A_45 = tpu.memref_slice %arg15[%dma_wait3A_43, %dma_wait3A_44] : memref<10000x16xf32, #tpu.memory_space<vmem_shared>> -> memref<10000x16xf32, #tpu.memory_space<vmem_shared>>
      tpu.wait_indirect_dma semaphore(%arg11 : memref<!tpu.dma_semaphore, #tpu.memory_space<semaphore_mem>>) src(%dma_wait3A_45 : memref<10000x16xf32, #tpu.memory_space<vmem_shared>>) dst(%arg9 : memref<400x16xf32, #tpu.memory_space<vmem>>)
      %dma_start3A_46 = arith.constant 0 : i32
      %dma_start3A_47 = tpu.memref_slice %arg7[%add3A_39, %dma_start3A_46] : memref<25x400xi32, #tpu.memory_space<vmem>> -> memref<1x400xi32, #tpu.memory_space<vmem>>
      %dma_start3A_48 = tpu.memref_squeeze %dma_start3A_47 : memref<1x400xi32, #tpu.memory_space<vmem>> -> memref<400xi32, #tpu.memory_space<vmem>>
      %dma_start3A_49 = arith.constant 0 : i32
      %dma_start3A_50 = arith.constant 0 : i32
      %dma_start3A_51 = tpu.memref_slice %arg15[%dma_start3A_49, %dma_start3A_50] : memref<10000x16xf32, #tpu.memory_space<vmem_shared>> -> memref<10000x16xf32, #tpu.memory_space<vmem_shared>>
      tpu.enqueue_indirect_dma source(%dma_start3A_51 : memref<10000x16xf32, #tpu.memory_space<vmem_shared>>) target(%arg10 : memref<400x16xf32, #tpu.memory_space<vmem>>) offsets(%dma_start3A_48 : memref<400xi32, #tpu.memory_space<vmem>>) semaphore(%arg12 : memref<!tpu.dma_semaphore, #tpu.memory_space<semaphore_mem>>)
      %dma_start3A_52 = arith.constant 0 : i32
      %dma_start3A_53 = tpu.memref_slice %arg8[%mul3A_37, %dma_start3A_52] : memref<25x400xi32, #tpu.memory_space<vmem>> -> memref<1x400xi32, #tpu.memory_space<vmem>>
      %dma_start3A_54 = tpu.memref_squeeze %dma_start3A_53 : memref<1x400xi32, #tpu.memory_space<vmem>> -> memref<400xi32, #tpu.memory_space<vmem>>
      %dma_start3A_55 = arith.constant 0 : i32
      %dma_start3A_56 = arith.constant 0 : i32
      %dma_start3A_57 = tpu.memref_slice %arg6[%dma_start3A_55, %dma_start3A_56] : memref<10000x16xf32, #tpu.memory_space<vmem_shared>> -> memref<10000x16xf32, #tpu.memory_space<vmem_shared>>
      tpu.enqueue_indirect_dma source(%arg9 : memref<400x16xf32, #tpu.memory_space<vmem>>) target(%dma_start3A_57 : memref<10000x16xf32, #tpu.memory_space<vmem_shared>>) offsets(%dma_start3A_54 : memref<400xi32, #tpu.memory_space<vmem>>) semaphore(%arg13 : memref<!tpu.dma_semaphore, #tpu.memory_space<semaphore_mem>>) {add = true}
      %dma_wait3A_58 = arith.constant 0 : i32
      %dma_wait3A_59 = tpu.memref_slice %arg7[%add3A_39, %dma_wait3A_58] : memref<25x400xi32, #tpu.memory_space<vmem>> -> memref<1x400xi32, #tpu.memory_space<vmem>>
      %dma_wait3A_60 = tpu.memref_squeeze %dma_wait3A_59 : memref<1x400xi32, #tpu.memory_space<vmem>> -> memref<400xi32, #tpu.memory_space<vmem>>
      %dma_wait3A_61 = arith.constant 0 : i32
      %dma_wait3A_62 = arith.constant 0 : i32
      %dma_wait3A_63 = tpu.memref_slice %arg15[%dma_wait3A_61, %dma_wait3A_62] : memref<10000x16xf32, #tpu.memory_space<vmem_shared>> -> memref<10000x16xf32, #tpu.memory_space<vmem_shared>>
      tpu.wait_indirect_dma semaphore(%arg12 : memref<!tpu.dma_semaphore, #tpu.memory_space<semaphore_mem>>) src(%dma_wait3A_63 : memref<10000x16xf32, #tpu.memory_space<vmem_shared>>) dst(%arg10 : memref<400x16xf32, #tpu.memory_space<vmem>>)
      %dma_start3A_64 = arith.constant 0 : i32
      %dma_start3A_65 = tpu.memref_slice %arg8[%add3A_39, %dma_start3A_64] : memref<25x400xi32, #tpu.memory_space<vmem>> -> memref<1x400xi32, #tpu.memory_space<vmem>>
      %dma_start3A_66 = tpu.memref_squeeze %dma_start3A_65 : memref<1x400xi32, #tpu.memory_space<vmem>> -> memref<400xi32, #tpu.memory_space<vmem>>
      %dma_start3A_67 = arith.constant 0 : i32
      %dma_start3A_68 = arith.constant 0 : i32
      %dma_start3A_69 = tpu.memref_slice %arg6[%dma_start3A_67, %dma_start3A_68] : memref<10000x16xf32, #tpu.memory_space<vmem_shared>> -> memref<10000x16xf32, #tpu.memory_space<vmem_shared>>
      tpu.enqueue_indirect_dma source(%arg10 : memref<400x16xf32, #tpu.memory_space<vmem>>) target(%dma_start3A_69 : memref<10000x16xf32, #tpu.memory_space<vmem_shared>>) offsets(%dma_start3A_66 : memref<400xi32, #tpu.memory_space<vmem>>) semaphore(%arg14 : memref<!tpu.dma_semaphore, #tpu.memory_space<semaphore_mem>>) {add = true}
      %dma_wait3A_70 = arith.constant 0 : i32
      %dma_wait3A_71 = tpu.memref_slice %arg8[%mul3A_37, %dma_wait3A_70] : memref<25x400xi32, #tpu.memory_space<vmem>> -> memref<1x400xi32, #tpu.memory_space<vmem>>
      %dma_wait3A_72 = tpu.memref_squeeze %dma_wait3A_71 : memref<1x400xi32, #tpu.memory_space<vmem>> -> memref<400xi32, #tpu.memory_space<vmem>>
      %dma_wait3A_73 = arith.constant 0 : i32
      %dma_wait3A_74 = arith.constant 0 : i32
      %dma_wait3A_75 = tpu.memref_slice %arg6[%dma_wait3A_73, %dma_wait3A_74] : memref<10000x16xf32, #tpu.memory_space<vmem_shared>> -> memref<10000x16xf32, #tpu.memory_space<vmem_shared>>
      tpu.wait_indirect_dma semaphore(%arg13 : memref<!tpu.dma_semaphore, #tpu.memory_space<semaphore_mem>>) src(%arg9 : memref<400x16xf32, #tpu.memory_space<vmem>>) dst(%dma_wait3A_75 : memref<10000x16xf32, #tpu.memory_space<vmem_shared>>)
      %add3A_76 = arith.constant 2 : i32
      %add3A_77 = arith.addi %mul3A_37, %add3A_76 : i32
      %dma_start3A_78 = arith.constant 0 : i32
      %dma_start3A_79 = tpu.memref_slice %arg7[%add3A_77, %dma_start3A_78] : memref<25x400xi32, #tpu.memory_space<vmem>> -> memref<1x400xi32, #tpu.memory_space<vmem>>
      %dma_start3A_80 = tpu.memref_squeeze %dma_start3A_79 : memref<1x400xi32, #tpu.memory_space<vmem>> -> memref<400xi32, #tpu.memory_space<vmem>>
      %dma_start3A_81 = arith.constant 0 : i32
      %dma_start3A_82 = arith.constant 0 : i32
      %dma_start3A_83 = tpu.memref_slice %arg15[%dma_start3A_81, %dma_start3A_82] : memref<10000x16xf32, #tpu.memory_space<vmem_shared>> -> memref<10000x16xf32, #tpu.memory_space<vmem_shared>>
      tpu.enqueue_indirect_dma source(%dma_start3A_83 : memref<10000x16xf32, #tpu.memory_space<vmem_shared>>) target(%arg9 : memref<400x16xf32, #tpu.memory_space<vmem>>) offsets(%dma_start3A_80 : memref<400xi32, #tpu.memory_space<vmem>>) semaphore(%arg11 : memref<!tpu.dma_semaphore, #tpu.memory_space<semaphore_mem>>)
      %dma_wait3A_84 = arith.constant 0 : i32
      %dma_wait3A_85 = tpu.memref_slice %arg8[%add3A_39, %dma_wait3A_84] : memref<25x400xi32, #tpu.memory_space<vmem>> -> memref<1x400xi32, #tpu.memory_space<vmem>>
      %dma_wait3A_86 = tpu.memref_squeeze %dma_wait3A_85 : memref<1x400xi32, #tpu.memory_space<vmem>> -> memref<400xi32, #tpu.memory_space<vmem>>
      %dma_wait3A_87 = arith.constant 0 : i32
      %dma_wait3A_88 = arith.constant 0 : i32
      %dma_wait3A_89 = tpu.memref_slice %arg6[%dma_wait3A_87, %dma_wait3A_88] : memref<10000x16xf32, #tpu.memory_space<vmem_shared>> -> memref<10000x16xf32, #tpu.memory_space<vmem_shared>>
      tpu.wait_indirect_dma semaphore(%arg14 : memref<!tpu.dma_semaphore, #tpu.memory_space<semaphore_mem>>) src(%arg10 : memref<400x16xf32, #tpu.memory_space<vmem>>) dst(%dma_wait3A_89 : memref<10000x16xf32, #tpu.memory_space<vmem_shared>>)
    }
    %scan3A_22 = arith.constant 12 : i32
    %dma_wait3A = arith.constant 24 : i32
    %dma_wait3A_23 = arith.constant 0 : i32
    %dma_wait3A_24 = tpu.memref_slice %arg7[%dma_wait3A, %dma_wait3A_23] : memref<25x400xi32, #tpu.memory_space<vmem>> -> memref<1x400xi32, #tpu.memory_space<vmem>>
    %dma_wait3A_25 = tpu.memref_squeeze %dma_wait3A_24 : memref<1x400xi32, #tpu.memory_space<vmem>> -> memref<400xi32, #tpu.memory_space<vmem>>
    %dma_wait3A_26 = arith.constant 0 : i32
    %dma_wait3A_27 = arith.constant 0 : i32
    %dma_wait3A_28 = tpu.memref_slice %arg15[%dma_wait3A_26, %dma_wait3A_27] : memref<10000x16xf32, #tpu.memory_space<vmem_shared>> -> memref<10000x16xf32, #tpu.memory_space<vmem_shared>>
    tpu.wait_indirect_dma semaphore(%arg11 : memref<!tpu.dma_semaphore, #tpu.memory_space<semaphore_mem>>) src(%dma_wait3A_28 : memref<10000x16xf32, #tpu.memory_space<vmem_shared>>) dst(%arg9 : memref<400x16xf32, #tpu.memory_space<vmem>>)
    %run_scoped3A_29 = arith.constant 24 : i32
    "tpu.region"() ({
      %run_scoped3A_35 = tpu.sem_alloc : memref<!tpu.dma_semaphore, #tpu.memory_space<semaphore_mem>>
      %dma_start3A_36 = arith.constant 0 : i32
      %dma_start3A_37 = tpu.memref_slice %arg8[%run_scoped3A_29, %dma_start3A_36] : memref<25x400xi32, #tpu.memory_space<vmem>> -> memref<1x400xi32, #tpu.memory_space<vmem>>
      %dma_start3A_38 = tpu.memref_squeeze %dma_start3A_37 : memref<1x400xi32, #tpu.memory_space<vmem>> -> memref<400xi32, #tpu.memory_space<vmem>>
      %dma_start3A_39 = arith.constant 0 : i32
      %dma_start3A_40 = arith.constant 0 : i32
      %dma_start3A_41 = tpu.memref_slice %arg6[%dma_start3A_39, %dma_start3A_40] : memref<10000x16xf32, #tpu.memory_space<vmem_shared>> -> memref<10000x16xf32, #tpu.memory_space<vmem_shared>>
      tpu.enqueue_indirect_dma source(%arg9 : memref<400x16xf32, #tpu.memory_space<vmem>>) target(%dma_start3A_41 : memref<10000x16xf32, #tpu.memory_space<vmem_shared>>) offsets(%dma_start3A_38 : memref<400xi32, #tpu.memory_space<vmem>>) semaphore(%run_scoped3A_35 : memref<!tpu.dma_semaphore, #tpu.memory_space<semaphore_mem>>) {add = true}
      %dma_wait3A_42 = arith.constant 0 : i32
      %dma_wait3A_43 = tpu.memref_slice %arg8[%run_scoped3A_29, %dma_wait3A_42] : memref<25x400xi32, #tpu.memory_space<vmem>> -> memref<1x400xi32, #tpu.memory_space<vmem>>
      %dma_wait3A_44 = tpu.memref_squeeze %dma_wait3A_43 : memref<1x400xi32, #tpu.memory_space<vmem>> -> memref<400xi32, #tpu.memory_space<vmem>>
      %dma_wait3A_45 = arith.constant 0 : i32
      %dma_wait3A_46 = arith.constant 0 : i32
      %dma_wait3A_47 = tpu.memref_slice %arg6[%dma_wait3A_45, %dma_wait3A_46] : memref<10000x16xf32, #tpu.memory_space<vmem_shared>> -> memref<10000x16xf32, #tpu.memory_space<vmem_shared>>
      tpu.wait_indirect_dma semaphore(%run_scoped3A_35 : memref<!tpu.dma_semaphore, #tpu.memory_space<semaphore_mem>>) src(%arg9 : memref<400x16xf32, #tpu.memory_space<vmem>>) dst(%dma_wait3A_47 : memref<10000x16xf32, #tpu.memory_space<vmem_shared>>)
      tpu.yield
    }) : () -> ()
    %barrier3A_30 = arith.constant 0 : index
    tpu.barrier barrier_id(%barrier3A_30)
    %mul3A_31 = arith.constant 625 : i32
    %mul3A_32 = arith.muli %arg1, %mul3A_31 : i32
    %mul3A_33 = arith.constant 625 : i32
    %mul3A_34 = arith.muli %arg1, %mul3A_33 : i32
    "tpu.region"() ({
      %run_scoped3A_35 = tpu.sem_alloc : memref<!tpu.dma_semaphore, #tpu.memory_space<semaphore_mem>>
      %dma_start3A_36 = arith.constant 0 : i32
      %dma_start3A_37 = tpu.memref_slice %arg5[%arg0, %mul3A_34, %dma_start3A_36] : memref<2x10000x16xf32, #tpu.memory_space<hbm>> -> memref<1x625x16xf32, #tpu.memory_space<hbm>>
      %dma_start3A_38 = tpu.memref_squeeze %dma_start3A_37 : memref<1x625x16xf32, #tpu.memory_space<hbm>> -> memref<625x16xf32, #tpu.memory_space<hbm>>
      %dma_start3A_39 = arith.constant 0 : i32
      %dma_start3A_40 = tpu.memref_slice %arg6[%mul3A_32, %dma_start3A_39] : memref<10000x16xf32, #tpu.memory_space<vmem_shared>> -> memref<625x16xf32, #tpu.memory_space<vmem_shared>>
      tpu.enqueue_dma source(%dma_start3A_40 : memref<625x16xf32, #tpu.memory_space<vmem_shared>>) target(%dma_start3A_38 : memref<625x16xf32, #tpu.memory_space<hbm>>) target_semaphore(%run_scoped3A_35 : memref<!tpu.dma_semaphore, #tpu.memory_space<semaphore_mem>>)
      %dma_wait3A_41 = arith.constant 0 : i32
      %dma_wait3A_42 = tpu.memref_slice %arg5[%arg0, %mul3A_34, %dma_wait3A_41] : memref<2x10000x16xf32, #tpu.memory_space<hbm>> -> memref<1x625x16xf32, #tpu.memory_space<hbm>>
      %dma_wait3A_43 = tpu.memref_squeeze %dma_wait3A_42 : memref<1x625x16xf32, #tpu.memory_space<hbm>> -> memref<625x16xf32, #tpu.memory_space<hbm>>
      %dma_wait3A_44 = arith.constant 0 : i32
      %dma_wait3A_45 = tpu.memref_slice %arg6[%mul3A_32, %dma_wait3A_44] : memref<10000x16xf32, #tpu.memory_space<vmem_shared>> -> memref<625x16xf32, #tpu.memory_space<vmem_shared>>
      tpu.wait_dma2 semaphore(%run_scoped3A_35 : memref<!tpu.dma_semaphore, #tpu.memory_space<semaphore_mem>>) src(%dma_wait3A_45 : memref<625x16xf32, #tpu.memory_space<vmem_shared>>) dst(%dma_wait3A_43 : memref<625x16xf32, #tpu.memory_space<hbm>>)
      tpu.yield
    }) : () -> ()
    return
  }
}

#map = affine_map<(d0, d1) -> (0, 0)>
#map1 = affine_map<(d0, d1) -> (0, 0, 0)>
module attributes {stable_mosaic.version = 14 : i64} {
  func.func @agg_kernel(%arg0: i32, %arg1: i32, %arg2: memref<10000x128xf32, #tpu.memory_space<hbm>>, %arg3: memref<2x4000x80xi32, #tpu.memory_space<hbm>>, %arg4: memref<625x128xf32, #tpu.memory_space<hbm>>, %arg5: memref<2x10000x128xf32, #tpu.memory_space<hbm>>, %arg6: memref<10000x128xf32, #tpu.memory_space<vmem_shared>>, %arg7: memref<125x80xi32, #tpu.memory_space<vmem>>, %arg8: memref<125x80xi32, #tpu.memory_space<vmem>>, %arg9: memref<80x128xf32, #tpu.memory_space<vmem>>, %arg10: memref<80x128xf32, #tpu.memory_space<vmem>>, %arg11: memref<!tpu.dma_semaphore, #tpu.memory_space<semaphore_mem>>, %arg12: memref<!tpu.dma_semaphore, #tpu.memory_space<semaphore_mem>>, %arg13: memref<!tpu.dma_semaphore, #tpu.memory_space<semaphore_mem>>, %arg14: memref<!tpu.dma_semaphore, #tpu.memory_space<semaphore_mem>>) attributes {dimension_semantics = [#tpu.dimension_semantics<core_parallel>, #tpu.dimension_semantics<subcore_parallel>], iteration_bounds = array<i64: 2, 16>, scalar_prefetch = 0 : i64, scratch_operands = 9 : i64, tpu.core_type = #tpu.core_type<sc_vector_subcore>, window_params = [{transform_indices = #map}, {transform_indices = #map1}, {transform_indices = #map}, {transform_indices = #map1}]} {
    %mul3A = arith.constant 2 : i32
    %mul3A_0 = arith.muli %arg1, %mul3A : i32
    %add3A = arith.addi %mul3A_0, %arg0 : i32
    %mul3A_1 = arith.constant 625 : i32
    %mul3A_2 = arith.muli %arg1, %mul3A_1 : i32
    "tpu.region"() ({
      %run_scoped3A_31 = tpu.sem_alloc : memref<!tpu.dma_semaphore, #tpu.memory_space<semaphore_mem>>
      %dma_start3A_32 = arith.constant 0 : i32
      %dma_start3A_33 = tpu.memref_slice %arg6[%mul3A_2, %dma_start3A_32] : memref<10000x128xf32, #tpu.memory_space<vmem_shared>> -> memref<625x128xf32, #tpu.memory_space<vmem_shared>>
      tpu.enqueue_dma source(%arg4 : memref<625x128xf32, #tpu.memory_space<hbm>>) target(%dma_start3A_33 : memref<625x128xf32, #tpu.memory_space<vmem_shared>>) target_semaphore(%run_scoped3A_31 : memref<!tpu.dma_semaphore, #tpu.memory_space<semaphore_mem>>)
      %dma_wait3A_34 = arith.constant 0 : i32
      %dma_wait3A_35 = tpu.memref_slice %arg6[%mul3A_2, %dma_wait3A_34] : memref<10000x128xf32, #tpu.memory_space<vmem_shared>> -> memref<625x128xf32, #tpu.memory_space<vmem_shared>>
      tpu.wait_dma2 semaphore(%run_scoped3A_31 : memref<!tpu.dma_semaphore, #tpu.memory_space<semaphore_mem>>) src(%arg4 : memref<625x128xf32, #tpu.memory_space<hbm>>) dst(%dma_wait3A_35 : memref<625x128xf32, #tpu.memory_space<vmem_shared>>)
      tpu.yield
    }) : () -> ()
    %mul3A_3 = arith.constant 125 : i32
    %mul3A_4 = arith.muli %add3A, %mul3A_3 : i32
    %run_scoped3A = arith.constant 0 : i32
    "tpu.region"() ({
      %run_scoped3A_31 = tpu.sem_alloc : memref<!tpu.dma_semaphore, #tpu.memory_space<semaphore_mem>>
      %dma_start3A_32 = arith.constant 0 : i32
      %dma_start3A_33 = tpu.memref_slice %arg3[%run_scoped3A, %mul3A_4, %dma_start3A_32] : memref<2x4000x80xi32, #tpu.memory_space<hbm>> -> memref<1x125x80xi32, #tpu.memory_space<hbm>>
      %dma_start3A_34 = tpu.memref_squeeze %dma_start3A_33 : memref<1x125x80xi32, #tpu.memory_space<hbm>> -> memref<125x80xi32, #tpu.memory_space<hbm>>
      %dma_start3A_35 = arith.constant 0 : i32
      %dma_start3A_36 = tpu.memref_slice %arg3[%run_scoped3A, %mul3A_4, %dma_start3A_35] : memref<2x4000x80xi32, #tpu.memory_space<hbm>> -> memref<1x125x80xi32, #tpu.memory_space<hbm>>
      %dma_start3A_37 = tpu.memref_squeeze %dma_start3A_36 : memref<1x125x80xi32, #tpu.memory_space<hbm>> -> memref<125x80xi32, #tpu.memory_space<hbm>>
      tpu.enqueue_dma source(%dma_start3A_37 : memref<125x80xi32, #tpu.memory_space<hbm>>) target(%arg7 : memref<125x80xi32, #tpu.memory_space<vmem>>) target_semaphore(%run_scoped3A_31 : memref<!tpu.dma_semaphore, #tpu.memory_space<semaphore_mem>>)
      %dma_wait3A_38 = arith.constant 0 : i32
      %dma_wait3A_39 = tpu.memref_slice %arg3[%run_scoped3A, %mul3A_4, %dma_wait3A_38] : memref<2x4000x80xi32, #tpu.memory_space<hbm>> -> memref<1x125x80xi32, #tpu.memory_space<hbm>>
      %dma_wait3A_40 = tpu.memref_squeeze %dma_wait3A_39 : memref<1x125x80xi32, #tpu.memory_space<hbm>> -> memref<125x80xi32, #tpu.memory_space<hbm>>
      %dma_wait3A_41 = arith.constant 0 : i32
      %dma_wait3A_42 = tpu.memref_slice %arg3[%run_scoped3A, %mul3A_4, %dma_wait3A_41] : memref<2x4000x80xi32, #tpu.memory_space<hbm>> -> memref<1x125x80xi32, #tpu.memory_space<hbm>>
      %dma_wait3A_43 = tpu.memref_squeeze %dma_wait3A_42 : memref<1x125x80xi32, #tpu.memory_space<hbm>> -> memref<125x80xi32, #tpu.memory_space<hbm>>
      tpu.wait_dma2 semaphore(%run_scoped3A_31 : memref<!tpu.dma_semaphore, #tpu.memory_space<semaphore_mem>>) src(%dma_wait3A_43 : memref<125x80xi32, #tpu.memory_space<hbm>>) dst(%arg7 : memref<125x80xi32, #tpu.memory_space<vmem>>)
      tpu.yield
    }) : () -> ()
    %mul3A_5 = arith.constant 125 : i32
    %mul3A_6 = arith.muli %add3A, %mul3A_5 : i32
    %run_scoped3A_7 = arith.constant 1 : i32
    "tpu.region"() ({
      %run_scoped3A_31 = tpu.sem_alloc : memref<!tpu.dma_semaphore, #tpu.memory_space<semaphore_mem>>
      %dma_start3A_32 = arith.constant 0 : i32
      %dma_start3A_33 = tpu.memref_slice %arg3[%run_scoped3A_7, %mul3A_6, %dma_start3A_32] : memref<2x4000x80xi32, #tpu.memory_space<hbm>> -> memref<1x125x80xi32, #tpu.memory_space<hbm>>
      %dma_start3A_34 = tpu.memref_squeeze %dma_start3A_33 : memref<1x125x80xi32, #tpu.memory_space<hbm>> -> memref<125x80xi32, #tpu.memory_space<hbm>>
      %dma_start3A_35 = arith.constant 0 : i32
      %dma_start3A_36 = tpu.memref_slice %arg3[%run_scoped3A_7, %mul3A_6, %dma_start3A_35] : memref<2x4000x80xi32, #tpu.memory_space<hbm>> -> memref<1x125x80xi32, #tpu.memory_space<hbm>>
      %dma_start3A_37 = tpu.memref_squeeze %dma_start3A_36 : memref<1x125x80xi32, #tpu.memory_space<hbm>> -> memref<125x80xi32, #tpu.memory_space<hbm>>
      tpu.enqueue_dma source(%dma_start3A_37 : memref<125x80xi32, #tpu.memory_space<hbm>>) target(%arg8 : memref<125x80xi32, #tpu.memory_space<vmem>>) target_semaphore(%run_scoped3A_31 : memref<!tpu.dma_semaphore, #tpu.memory_space<semaphore_mem>>)
      %dma_wait3A_38 = arith.constant 0 : i32
      %dma_wait3A_39 = tpu.memref_slice %arg3[%run_scoped3A_7, %mul3A_6, %dma_wait3A_38] : memref<2x4000x80xi32, #tpu.memory_space<hbm>> -> memref<1x125x80xi32, #tpu.memory_space<hbm>>
      %dma_wait3A_40 = tpu.memref_squeeze %dma_wait3A_39 : memref<1x125x80xi32, #tpu.memory_space<hbm>> -> memref<125x80xi32, #tpu.memory_space<hbm>>
      %dma_wait3A_41 = arith.constant 0 : i32
      %dma_wait3A_42 = tpu.memref_slice %arg3[%run_scoped3A_7, %mul3A_6, %dma_wait3A_41] : memref<2x4000x80xi32, #tpu.memory_space<hbm>> -> memref<1x125x80xi32, #tpu.memory_space<hbm>>
      %dma_wait3A_43 = tpu.memref_squeeze %dma_wait3A_42 : memref<1x125x80xi32, #tpu.memory_space<hbm>> -> memref<125x80xi32, #tpu.memory_space<hbm>>
      tpu.wait_dma2 semaphore(%run_scoped3A_31 : memref<!tpu.dma_semaphore, #tpu.memory_space<semaphore_mem>>) src(%dma_wait3A_43 : memref<125x80xi32, #tpu.memory_space<hbm>>) dst(%arg8 : memref<125x80xi32, #tpu.memory_space<vmem>>)
      tpu.yield
    }) : () -> ()
    %barrier3A = arith.constant 0 : index
    tpu.barrier barrier_id(%barrier3A)
    %dma_start3A = arith.constant 0 : i32
    %dma_start3A_8 = arith.constant 0 : i32
    %dma_start3A_9 = tpu.memref_slice %arg7[%dma_start3A, %dma_start3A_8] : memref<125x80xi32, #tpu.memory_space<vmem>> -> memref<1x80xi32, #tpu.memory_space<vmem>>
    %dma_start3A_10 = tpu.memref_squeeze %dma_start3A_9 : memref<1x80xi32, #tpu.memory_space<vmem>> -> memref<80xi32, #tpu.memory_space<vmem>>
    %dma_start3A_11 = arith.constant 0 : i32
    %dma_start3A_12 = arith.constant 0 : i32
    %dma_start3A_13 = tpu.memref_slice %arg2[%dma_start3A_11, %dma_start3A_12] : memref<10000x128xf32, #tpu.memory_space<hbm>> -> memref<10000x128xf32, #tpu.memory_space<hbm>>
    tpu.enqueue_indirect_dma source(%dma_start3A_13 : memref<10000x128xf32, #tpu.memory_space<hbm>>) target(%arg9 : memref<80x128xf32, #tpu.memory_space<vmem>>) offsets(%dma_start3A_10 : memref<80xi32, #tpu.memory_space<vmem>>) semaphore(%arg11 : memref<!tpu.dma_semaphore, #tpu.memory_space<semaphore_mem>>)
    %scan3A = arith.constant 0 : i32
    %scan3A_14 = arith.constant 0 : i32
    %scan3A_15 = arith.constant 62 : i32
    %scan3A_16 = arith.addi %scan3A_14, %scan3A_15 : i32
    %scan3A_17 = arith.constant 1 : i32
    scf.for %scan3A_31 = %scan3A_14 to %scan3A_16 step %scan3A_17  : i32 {
      %mul3A_32 = arith.constant 2 : i32
      %mul3A_33 = arith.muli %mul3A_32, %scan3A_31 : i32
      %add3A_34 = arith.constant 1 : i32
      %add3A_35 = arith.addi %mul3A_33, %add3A_34 : i32
      %dma_wait3A_36 = arith.constant 0 : i32
      %dma_wait3A_37 = tpu.memref_slice %arg7[%mul3A_33, %dma_wait3A_36] : memref<125x80xi32, #tpu.memory_space<vmem>> -> memref<1x80xi32, #tpu.memory_space<vmem>>
      %dma_wait3A_38 = tpu.memref_squeeze %dma_wait3A_37 : memref<1x80xi32, #tpu.memory_space<vmem>> -> memref<80xi32, #tpu.memory_space<vmem>>
      %dma_wait3A_39 = arith.constant 0 : i32
      %dma_wait3A_40 = arith.constant 0 : i32
      %dma_wait3A_41 = tpu.memref_slice %arg2[%dma_wait3A_39, %dma_wait3A_40] : memref<10000x128xf32, #tpu.memory_space<hbm>> -> memref<10000x128xf32, #tpu.memory_space<hbm>>
      tpu.wait_indirect_dma semaphore(%arg11 : memref<!tpu.dma_semaphore, #tpu.memory_space<semaphore_mem>>) src(%dma_wait3A_41 : memref<10000x128xf32, #tpu.memory_space<hbm>>) dst(%arg9 : memref<80x128xf32, #tpu.memory_space<vmem>>)
      %dma_start3A_42 = arith.constant 0 : i32
      %dma_start3A_43 = tpu.memref_slice %arg7[%add3A_35, %dma_start3A_42] : memref<125x80xi32, #tpu.memory_space<vmem>> -> memref<1x80xi32, #tpu.memory_space<vmem>>
      %dma_start3A_44 = tpu.memref_squeeze %dma_start3A_43 : memref<1x80xi32, #tpu.memory_space<vmem>> -> memref<80xi32, #tpu.memory_space<vmem>>
      %dma_start3A_45 = arith.constant 0 : i32
      %dma_start3A_46 = arith.constant 0 : i32
      %dma_start3A_47 = tpu.memref_slice %arg2[%dma_start3A_45, %dma_start3A_46] : memref<10000x128xf32, #tpu.memory_space<hbm>> -> memref<10000x128xf32, #tpu.memory_space<hbm>>
      tpu.enqueue_indirect_dma source(%dma_start3A_47 : memref<10000x128xf32, #tpu.memory_space<hbm>>) target(%arg10 : memref<80x128xf32, #tpu.memory_space<vmem>>) offsets(%dma_start3A_44 : memref<80xi32, #tpu.memory_space<vmem>>) semaphore(%arg12 : memref<!tpu.dma_semaphore, #tpu.memory_space<semaphore_mem>>)
      %dma_start3A_48 = arith.constant 0 : i32
      %dma_start3A_49 = tpu.memref_slice %arg8[%mul3A_33, %dma_start3A_48] : memref<125x80xi32, #tpu.memory_space<vmem>> -> memref<1x80xi32, #tpu.memory_space<vmem>>
      %dma_start3A_50 = tpu.memref_squeeze %dma_start3A_49 : memref<1x80xi32, #tpu.memory_space<vmem>> -> memref<80xi32, #tpu.memory_space<vmem>>
      %dma_start3A_51 = arith.constant 0 : i32
      %dma_start3A_52 = arith.constant 0 : i32
      %dma_start3A_53 = tpu.memref_slice %arg6[%dma_start3A_51, %dma_start3A_52] : memref<10000x128xf32, #tpu.memory_space<vmem_shared>> -> memref<10000x128xf32, #tpu.memory_space<vmem_shared>>
      tpu.enqueue_indirect_dma source(%arg9 : memref<80x128xf32, #tpu.memory_space<vmem>>) target(%dma_start3A_53 : memref<10000x128xf32, #tpu.memory_space<vmem_shared>>) offsets(%dma_start3A_50 : memref<80xi32, #tpu.memory_space<vmem>>) semaphore(%arg13 : memref<!tpu.dma_semaphore, #tpu.memory_space<semaphore_mem>>) {add = true}
      %dma_wait3A_54 = arith.constant 0 : i32
      %dma_wait3A_55 = tpu.memref_slice %arg7[%add3A_35, %dma_wait3A_54] : memref<125x80xi32, #tpu.memory_space<vmem>> -> memref<1x80xi32, #tpu.memory_space<vmem>>
      %dma_wait3A_56 = tpu.memref_squeeze %dma_wait3A_55 : memref<1x80xi32, #tpu.memory_space<vmem>> -> memref<80xi32, #tpu.memory_space<vmem>>
      %dma_wait3A_57 = arith.constant 0 : i32
      %dma_wait3A_58 = arith.constant 0 : i32
      %dma_wait3A_59 = tpu.memref_slice %arg2[%dma_wait3A_57, %dma_wait3A_58] : memref<10000x128xf32, #tpu.memory_space<hbm>> -> memref<10000x128xf32, #tpu.memory_space<hbm>>
      tpu.wait_indirect_dma semaphore(%arg12 : memref<!tpu.dma_semaphore, #tpu.memory_space<semaphore_mem>>) src(%dma_wait3A_59 : memref<10000x128xf32, #tpu.memory_space<hbm>>) dst(%arg10 : memref<80x128xf32, #tpu.memory_space<vmem>>)
      %dma_start3A_60 = arith.constant 0 : i32
      %dma_start3A_61 = tpu.memref_slice %arg8[%add3A_35, %dma_start3A_60] : memref<125x80xi32, #tpu.memory_space<vmem>> -> memref<1x80xi32, #tpu.memory_space<vmem>>
      %dma_start3A_62 = tpu.memref_squeeze %dma_start3A_61 : memref<1x80xi32, #tpu.memory_space<vmem>> -> memref<80xi32, #tpu.memory_space<vmem>>
      %dma_start3A_63 = arith.constant 0 : i32
      %dma_start3A_64 = arith.constant 0 : i32
      %dma_start3A_65 = tpu.memref_slice %arg6[%dma_start3A_63, %dma_start3A_64] : memref<10000x128xf32, #tpu.memory_space<vmem_shared>> -> memref<10000x128xf32, #tpu.memory_space<vmem_shared>>
      tpu.enqueue_indirect_dma source(%arg10 : memref<80x128xf32, #tpu.memory_space<vmem>>) target(%dma_start3A_65 : memref<10000x128xf32, #tpu.memory_space<vmem_shared>>) offsets(%dma_start3A_62 : memref<80xi32, #tpu.memory_space<vmem>>) semaphore(%arg14 : memref<!tpu.dma_semaphore, #tpu.memory_space<semaphore_mem>>) {add = true}
      %dma_wait3A_66 = arith.constant 0 : i32
      %dma_wait3A_67 = tpu.memref_slice %arg8[%mul3A_33, %dma_wait3A_66] : memref<125x80xi32, #tpu.memory_space<vmem>> -> memref<1x80xi32, #tpu.memory_space<vmem>>
      %dma_wait3A_68 = tpu.memref_squeeze %dma_wait3A_67 : memref<1x80xi32, #tpu.memory_space<vmem>> -> memref<80xi32, #tpu.memory_space<vmem>>
      %dma_wait3A_69 = arith.constant 0 : i32
      %dma_wait3A_70 = arith.constant 0 : i32
      %dma_wait3A_71 = tpu.memref_slice %arg6[%dma_wait3A_69, %dma_wait3A_70] : memref<10000x128xf32, #tpu.memory_space<vmem_shared>> -> memref<10000x128xf32, #tpu.memory_space<vmem_shared>>
      tpu.wait_indirect_dma semaphore(%arg13 : memref<!tpu.dma_semaphore, #tpu.memory_space<semaphore_mem>>) src(%arg9 : memref<80x128xf32, #tpu.memory_space<vmem>>) dst(%dma_wait3A_71 : memref<10000x128xf32, #tpu.memory_space<vmem_shared>>)
      %add3A_72 = arith.constant 2 : i32
      %add3A_73 = arith.addi %mul3A_33, %add3A_72 : i32
      %dma_start3A_74 = arith.constant 0 : i32
      %dma_start3A_75 = tpu.memref_slice %arg7[%add3A_73, %dma_start3A_74] : memref<125x80xi32, #tpu.memory_space<vmem>> -> memref<1x80xi32, #tpu.memory_space<vmem>>
      %dma_start3A_76 = tpu.memref_squeeze %dma_start3A_75 : memref<1x80xi32, #tpu.memory_space<vmem>> -> memref<80xi32, #tpu.memory_space<vmem>>
      %dma_start3A_77 = arith.constant 0 : i32
      %dma_start3A_78 = arith.constant 0 : i32
      %dma_start3A_79 = tpu.memref_slice %arg2[%dma_start3A_77, %dma_start3A_78] : memref<10000x128xf32, #tpu.memory_space<hbm>> -> memref<10000x128xf32, #tpu.memory_space<hbm>>
      tpu.enqueue_indirect_dma source(%dma_start3A_79 : memref<10000x128xf32, #tpu.memory_space<hbm>>) target(%arg9 : memref<80x128xf32, #tpu.memory_space<vmem>>) offsets(%dma_start3A_76 : memref<80xi32, #tpu.memory_space<vmem>>) semaphore(%arg11 : memref<!tpu.dma_semaphore, #tpu.memory_space<semaphore_mem>>)
      %dma_wait3A_80 = arith.constant 0 : i32
      %dma_wait3A_81 = tpu.memref_slice %arg8[%add3A_35, %dma_wait3A_80] : memref<125x80xi32, #tpu.memory_space<vmem>> -> memref<1x80xi32, #tpu.memory_space<vmem>>
      %dma_wait3A_82 = tpu.memref_squeeze %dma_wait3A_81 : memref<1x80xi32, #tpu.memory_space<vmem>> -> memref<80xi32, #tpu.memory_space<vmem>>
      %dma_wait3A_83 = arith.constant 0 : i32
      %dma_wait3A_84 = arith.constant 0 : i32
      %dma_wait3A_85 = tpu.memref_slice %arg6[%dma_wait3A_83, %dma_wait3A_84] : memref<10000x128xf32, #tpu.memory_space<vmem_shared>> -> memref<10000x128xf32, #tpu.memory_space<vmem_shared>>
      tpu.wait_indirect_dma semaphore(%arg14 : memref<!tpu.dma_semaphore, #tpu.memory_space<semaphore_mem>>) src(%arg10 : memref<80x128xf32, #tpu.memory_space<vmem>>) dst(%dma_wait3A_85 : memref<10000x128xf32, #tpu.memory_space<vmem_shared>>)
    }
    %scan3A_18 = arith.constant 62 : i32
    %dma_wait3A = arith.constant 124 : i32
    %dma_wait3A_19 = arith.constant 0 : i32
    %dma_wait3A_20 = tpu.memref_slice %arg7[%dma_wait3A, %dma_wait3A_19] : memref<125x80xi32, #tpu.memory_space<vmem>> -> memref<1x80xi32, #tpu.memory_space<vmem>>
    %dma_wait3A_21 = tpu.memref_squeeze %dma_wait3A_20 : memref<1x80xi32, #tpu.memory_space<vmem>> -> memref<80xi32, #tpu.memory_space<vmem>>
    %dma_wait3A_22 = arith.constant 0 : i32
    %dma_wait3A_23 = arith.constant 0 : i32
    %dma_wait3A_24 = tpu.memref_slice %arg2[%dma_wait3A_22, %dma_wait3A_23] : memref<10000x128xf32, #tpu.memory_space<hbm>> -> memref<10000x128xf32, #tpu.memory_space<hbm>>
    tpu.wait_indirect_dma semaphore(%arg11 : memref<!tpu.dma_semaphore, #tpu.memory_space<semaphore_mem>>) src(%dma_wait3A_24 : memref<10000x128xf32, #tpu.memory_space<hbm>>) dst(%arg9 : memref<80x128xf32, #tpu.memory_space<vmem>>)
    %run_scoped3A_25 = arith.constant 124 : i32
    "tpu.region"() ({
      %run_scoped3A_31 = tpu.sem_alloc : memref<!tpu.dma_semaphore, #tpu.memory_space<semaphore_mem>>
      %dma_start3A_32 = arith.constant 0 : i32
      %dma_start3A_33 = tpu.memref_slice %arg8[%run_scoped3A_25, %dma_start3A_32] : memref<125x80xi32, #tpu.memory_space<vmem>> -> memref<1x80xi32, #tpu.memory_space<vmem>>
      %dma_start3A_34 = tpu.memref_squeeze %dma_start3A_33 : memref<1x80xi32, #tpu.memory_space<vmem>> -> memref<80xi32, #tpu.memory_space<vmem>>
      %dma_start3A_35 = arith.constant 0 : i32
      %dma_start3A_36 = arith.constant 0 : i32
      %dma_start3A_37 = tpu.memref_slice %arg6[%dma_start3A_35, %dma_start3A_36] : memref<10000x128xf32, #tpu.memory_space<vmem_shared>> -> memref<10000x128xf32, #tpu.memory_space<vmem_shared>>
      tpu.enqueue_indirect_dma source(%arg9 : memref<80x128xf32, #tpu.memory_space<vmem>>) target(%dma_start3A_37 : memref<10000x128xf32, #tpu.memory_space<vmem_shared>>) offsets(%dma_start3A_34 : memref<80xi32, #tpu.memory_space<vmem>>) semaphore(%run_scoped3A_31 : memref<!tpu.dma_semaphore, #tpu.memory_space<semaphore_mem>>) {add = true}
      %dma_wait3A_38 = arith.constant 0 : i32
      %dma_wait3A_39 = tpu.memref_slice %arg8[%run_scoped3A_25, %dma_wait3A_38] : memref<125x80xi32, #tpu.memory_space<vmem>> -> memref<1x80xi32, #tpu.memory_space<vmem>>
      %dma_wait3A_40 = tpu.memref_squeeze %dma_wait3A_39 : memref<1x80xi32, #tpu.memory_space<vmem>> -> memref<80xi32, #tpu.memory_space<vmem>>
      %dma_wait3A_41 = arith.constant 0 : i32
      %dma_wait3A_42 = arith.constant 0 : i32
      %dma_wait3A_43 = tpu.memref_slice %arg6[%dma_wait3A_41, %dma_wait3A_42] : memref<10000x128xf32, #tpu.memory_space<vmem_shared>> -> memref<10000x128xf32, #tpu.memory_space<vmem_shared>>
      tpu.wait_indirect_dma semaphore(%run_scoped3A_31 : memref<!tpu.dma_semaphore, #tpu.memory_space<semaphore_mem>>) src(%arg9 : memref<80x128xf32, #tpu.memory_space<vmem>>) dst(%dma_wait3A_43 : memref<10000x128xf32, #tpu.memory_space<vmem_shared>>)
      tpu.yield
    }) : () -> ()
    %barrier3A_26 = arith.constant 0 : index
    tpu.barrier barrier_id(%barrier3A_26)
    %mul3A_27 = arith.constant 625 : i32
    %mul3A_28 = arith.muli %arg1, %mul3A_27 : i32
    %mul3A_29 = arith.constant 625 : i32
    %mul3A_30 = arith.muli %arg1, %mul3A_29 : i32
    "tpu.region"() ({
      %run_scoped3A_31 = tpu.sem_alloc : memref<!tpu.dma_semaphore, #tpu.memory_space<semaphore_mem>>
      %dma_start3A_32 = arith.constant 0 : i32
      %dma_start3A_33 = tpu.memref_slice %arg5[%arg0, %mul3A_30, %dma_start3A_32] : memref<2x10000x128xf32, #tpu.memory_space<hbm>> -> memref<1x625x128xf32, #tpu.memory_space<hbm>>
      %dma_start3A_34 = tpu.memref_squeeze %dma_start3A_33 : memref<1x625x128xf32, #tpu.memory_space<hbm>> -> memref<625x128xf32, #tpu.memory_space<hbm>>
      %dma_start3A_35 = arith.constant 0 : i32
      %dma_start3A_36 = tpu.memref_slice %arg6[%mul3A_28, %dma_start3A_35] : memref<10000x128xf32, #tpu.memory_space<vmem_shared>> -> memref<625x128xf32, #tpu.memory_space<vmem_shared>>
      tpu.enqueue_dma source(%dma_start3A_36 : memref<625x128xf32, #tpu.memory_space<vmem_shared>>) target(%dma_start3A_34 : memref<625x128xf32, #tpu.memory_space<hbm>>) target_semaphore(%run_scoped3A_31 : memref<!tpu.dma_semaphore, #tpu.memory_space<semaphore_mem>>)
      %dma_wait3A_37 = arith.constant 0 : i32
      %dma_wait3A_38 = tpu.memref_slice %arg5[%arg0, %mul3A_30, %dma_wait3A_37] : memref<2x10000x128xf32, #tpu.memory_space<hbm>> -> memref<1x625x128xf32, #tpu.memory_space<hbm>>
      %dma_wait3A_39 = tpu.memref_squeeze %dma_wait3A_38 : memref<1x625x128xf32, #tpu.memory_space<hbm>> -> memref<625x128xf32, #tpu.memory_space<hbm>>
      %dma_wait3A_40 = arith.constant 0 : i32
      %dma_wait3A_41 = tpu.memref_slice %arg6[%mul3A_28, %dma_wait3A_40] : memref<10000x128xf32, #tpu.memory_space<vmem_shared>> -> memref<625x128xf32, #tpu.memory_space<vmem_shared>>
      tpu.wait_dma2 semaphore(%run_scoped3A_31 : memref<!tpu.dma_semaphore, #tpu.memory_space<semaphore_mem>>) src(%dma_wait3A_41 : memref<625x128xf32, #tpu.memory_space<vmem_shared>>) dst(%dma_wait3A_39 : memref<625x128xf32, #tpu.memory_space<hbm>>)
      tpu.yield
    }) : () -> ()
    return
  }
}

module attributes {stable_mosaic.version = 14 : i64} {
  func.func @_tc_prep(%arg0: i32, %arg1: memref<2x2000x1xf32, #tpu.memory_space<vmem>>, %arg2: memref<2000x128xf32, #tpu.memory_space<vmem>>, %arg3: memref<2000x128xf32, #tpu.memory_space<vmem>>) attributes {dimension_semantics = [#tpu.dimension_semantics<arbitrary>], iteration_bounds = array<i64: 5>, scalar_prefetch = 0 : i64, scratch_operands = 0 : i64, tpu.core_type = #tpu.core_type<tc>, window_params = [{transform_indices = @transform_0, window_bounds = array<i64: 2, 2000, 1>}, {transform_indices = @transform_1, window_bounds = array<i64: 2000, 128>}, {transform_indices = @transform_2, window_bounds = array<i64: 2000, 128>}]} {
    %get3A = arith.constant 0 : index
    %get3A_0 = arith.constant 0 : index
    %get3A_1 = arith.constant 0 : index
    %get3A_2 = vector.load %arg1[%get3A, %get3A_0, %get3A_1] : memref<2x2000x1xf32, #tpu.memory_space<vmem>>, vector<1x2000x1xf32>
    %get3A_3 = vector.shape_cast %get3A_2 : vector<1x2000x1xf32> to vector<2000x1xf32>
    %get3A_4 = arith.constant 1 : index
    %get3A_5 = arith.constant 0 : index
    %get3A_6 = arith.constant 0 : index
    %get3A_7 = vector.load %arg1[%get3A_4, %get3A_5, %get3A_6] : memref<2x2000x1xf32, #tpu.memory_space<vmem>>, vector<1x2000x1xf32>
    %get3A_8 = vector.shape_cast %get3A_7 : vector<1x2000x1xf32> to vector<2000x1xf32>
    %add3A = arith.addf %get3A_3, %get3A_8 : vector<2000x1xf32>
    %add3A_9 = arith.constant 1.000000e+00 : f32
    %add3A_10 = vector.broadcast %add3A_9 : f32 to vector<2000x1xf32>
    %add3A_11 = arith.addf %add3A, %add3A_10 : vector<2000x1xf32>
    %rsqrt3A = math.rsqrt %add3A_11 : vector<2000x1xf32>
    %get3A_12 = arith.constant 0 : index
    %get3A_13 = arith.constant 0 : index
    %get3A_14 = vector.load %arg2[%get3A_12, %get3A_13] : memref<2000x128xf32, #tpu.memory_space<vmem>>, vector<2000x128xf32>
    %mul3A = vector.broadcast %rsqrt3A : vector<2000x1xf32> to vector<2000x128xf32>
    %mul3A_15 = arith.mulf %mul3A, %get3A_14 : vector<2000x128xf32>
    %swap3A = arith.constant 0 : index
    %swap3A_16 = arith.constant 0 : index
    %swap3A_17 = vector.load %arg3[%swap3A, %swap3A_16] : memref<2000x128xf32, #tpu.memory_space<vmem>>, vector<2000x128xf32>
    tpu.vector_store %arg3[%swap3A, %swap3A_16], %mul3A_15 {strides = array<i32>} : memref<2000x128xf32, #tpu.memory_space<vmem>>, vector<2000x128xf32>,
    return
  }
  func.func @transform_0(%arg0: i32) -> (i32, i32, i32) {
    %c0_i32 = arith.constant 0 : i32
    %c0_i32_0 = arith.constant 0 : i32
    %c0_i32_1 = arith.constant 0 : i32
    return %c0_i32, %arg0, %c0_i32_0 : i32, i32, i32
  }
  func.func @transform_1(%arg0: i32) -> (i32, i32) {
    %c0_i32 = arith.constant 0 : i32
    %c0_i32_0 = arith.constant 0 : i32
    return %arg0, %c0_i32 : i32, i32
  }
  func.func @transform_2(%arg0: i32) -> (i32, i32) {
    %c0_i32 = arith.constant 0 : i32
    %c0_i32_0 = arith.constant 0 : i32
    return %arg0, %c0_i32 : i32, i32
  }
}

module attributes {stable_mosaic.version = 14 : i64} {
  func.func @_tc_mid(%arg0: i32, %arg1: memref<2x2000x1xf32, #tpu.memory_space<vmem>>, %arg2: memref<2x2000x128xf32, #tpu.memory_space<vmem>>, %arg3: memref<2000x128xf32, #tpu.memory_space<vmem>>, %arg4: memref<128x128xf32, #tpu.memory_space<vmem>>, %arg5: memref<1x128xf32, #tpu.memory_space<vmem>>, %arg6: memref<128x16xf32, #tpu.memory_space<vmem>>, %arg7: memref<2000x16xf32, #tpu.memory_space<vmem>>) attributes {dimension_semantics = [#tpu.dimension_semantics<arbitrary>], iteration_bounds = array<i64: 5>, scalar_prefetch = 0 : i64, scratch_operands = 0 : i64, tpu.core_type = #tpu.core_type<tc>, window_params = [{transform_indices = @transform_0, window_bounds = array<i64: 2, 2000, 1>}, {transform_indices = @transform_1, window_bounds = array<i64: 2, 2000, 128>}, {transform_indices = @transform_2, window_bounds = array<i64: 2000, 128>}, {pipeline_mode = #tpu.pipeline_mode<synchronous>, transform_indices = @transform_3, window_bounds = array<i64: 128, 128>}, {pipeline_mode = #tpu.pipeline_mode<synchronous>, transform_indices = @transform_4, window_bounds = array<i64: 1, 128>}, {pipeline_mode = #tpu.pipeline_mode<synchronous>, transform_indices = @transform_5, window_bounds = array<i64: 128, 16>}, {transform_indices = @transform_6, window_bounds = array<i64: 2000, 16>}]} {
    %get3A = arith.constant 0 : index
    %get3A_0 = arith.constant 0 : index
    %get3A_1 = arith.constant 0 : index
    %get3A_2 = vector.load %arg1[%get3A, %get3A_0, %get3A_1] : memref<2x2000x1xf32, #tpu.memory_space<vmem>>, vector<1x2000x1xf32>
    %get3A_3 = vector.shape_cast %get3A_2 : vector<1x2000x1xf32> to vector<2000x1xf32>
    %get3A_4 = arith.constant 1 : index
    %get3A_5 = arith.constant 0 : index
    %get3A_6 = arith.constant 0 : index
    %get3A_7 = vector.load %arg1[%get3A_4, %get3A_5, %get3A_6] : memref<2x2000x1xf32, #tpu.memory_space<vmem>>, vector<1x2000x1xf32>
    %get3A_8 = vector.shape_cast %get3A_7 : vector<1x2000x1xf32> to vector<2000x1xf32>
    %add3A = arith.addf %get3A_3, %get3A_8 : vector<2000x1xf32>
    %add3A_9 = arith.constant 1.000000e+00 : f32
    %add3A_10 = vector.broadcast %add3A_9 : f32 to vector<2000x1xf32>
    %add3A_11 = arith.addf %add3A, %add3A_10 : vector<2000x1xf32>
    %rsqrt3A = math.rsqrt %add3A_11 : vector<2000x1xf32>
    %get3A_12 = arith.constant 0 : index
    %get3A_13 = arith.constant 0 : index
    %get3A_14 = arith.constant 0 : index
    %get3A_15 = vector.load %arg2[%get3A_12, %get3A_13, %get3A_14] : memref<2x2000x128xf32, #tpu.memory_space<vmem>>, vector<1x2000x128xf32>
    %get3A_16 = vector.shape_cast %get3A_15 : vector<1x2000x128xf32> to vector<2000x128xf32>
    %get3A_17 = arith.constant 1 : index
    %get3A_18 = arith.constant 0 : index
    %get3A_19 = arith.constant 0 : index
    %get3A_20 = vector.load %arg2[%get3A_17, %get3A_18, %get3A_19] : memref<2x2000x128xf32, #tpu.memory_space<vmem>>, vector<1x2000x128xf32>
    %get3A_21 = vector.shape_cast %get3A_20 : vector<1x2000x128xf32> to vector<2000x128xf32>
    %add3A_22 = arith.addf %get3A_16, %get3A_21 : vector<2000x128xf32>
    %get3A_23 = arith.constant 0 : index
    %get3A_24 = arith.constant 0 : index
    %get3A_25 = vector.load %arg3[%get3A_23, %get3A_24] : memref<2000x128xf32, #tpu.memory_space<vmem>>, vector<2000x128xf32>
    %add3A_26 = arith.addf %add3A_22, %get3A_25 : vector<2000x128xf32>
    %mul3A = vector.broadcast %rsqrt3A : vector<2000x1xf32> to vector<2000x128xf32>
    %mul3A_27 = arith.mulf %mul3A, %add3A_26 : vector<2000x128xf32>
    %get3A_28 = arith.constant 0 : index
    %get3A_29 = arith.constant 0 : index
    %get3A_30 = vector.load %arg4[%get3A_28, %get3A_29] : memref<128x128xf32, #tpu.memory_space<vmem>>, vector<128x128xf32>
    %dot_general3A = arith.constant dense<0.000000e+00> : vector<2000x128xf32>
    %dot_general3A_31 = tpu.matmul %mul3A_27, %get3A_30, %dot_general3A {dimension_numbers = #tpu.dot_dimension_numbers<[1], [0], [0], [1], [0, 0, 1, 1], [], []>, transpose_lhs_hint = false} : vector<2000x128xf32>, vector<128x128xf32>, vector<2000x128xf32> -> vector<2000x128xf32>
    %get3A_32 = arith.constant 0 : index
    %get3A_33 = arith.constant 0 : index
    %get3A_34 = vector.load %arg5[%get3A_32, %get3A_33] : memref<1x128xf32, #tpu.memory_space<vmem>>, vector<1x128xf32>
    %add3A_35 = vector.broadcast %get3A_34 : vector<1x128xf32> to vector<2000x128xf32>
    %add3A_36 = arith.addf %dot_general3A_31, %add3A_35 : vector<2000x128xf32>
    %max3A = arith.constant 0.000000e+00 : f32
    %max3A_37 = vector.broadcast %max3A : f32 to vector<2000x128xf32>
    %max3A_38 = arith.maximumf %add3A_36, %max3A_37 : vector<2000x128xf32>
    %get3A_39 = arith.constant 0 : index
    %get3A_40 = arith.constant 0 : index
    %get3A_41 = vector.load %arg6[%get3A_39, %get3A_40] : memref<128x16xf32, #tpu.memory_space<vmem>>, vector<128x16xf32>
    %dot_general3A_42 = arith.constant dense<0.000000e+00> : vector<2000x16xf32>
    %dot_general3A_43 = tpu.matmul %max3A_38, %get3A_41, %dot_general3A_42 {dimension_numbers = #tpu.dot_dimension_numbers<[1], [0], [0], [1], [0, 0, 1, 1], [], []>, transpose_lhs_hint = false} : vector<2000x128xf32>, vector<128x16xf32>, vector<2000x16xf32> -> vector<2000x16xf32>
    %mul3A_44 = vector.broadcast %rsqrt3A : vector<2000x1xf32> to vector<2000x16xf32>
    %mul3A_45 = arith.mulf %mul3A_44, %dot_general3A_43 : vector<2000x16xf32>
    %swap3A = arith.constant 0 : index
    %swap3A_46 = arith.constant 0 : index
    %swap3A_47 = vector.load %arg7[%swap3A, %swap3A_46] : memref<2000x16xf32, #tpu.memory_space<vmem>>, vector<2000x16xf32>
    tpu.vector_store %arg7[%swap3A, %swap3A_46], %mul3A_45 {strides = array<i32>} : memref<2000x16xf32, #tpu.memory_space<vmem>>, vector<2000x16xf32>,
    return
  }
  func.func @transform_0(%arg0: i32) -> (i32, i32, i32) {
    %c0_i32 = arith.constant 0 : i32
    %c0_i32_0 = arith.constant 0 : i32
    %c0_i32_1 = arith.constant 0 : i32
    return %c0_i32, %arg0, %c0_i32_0 : i32, i32, i32
  }
  func.func @transform_1(%arg0: i32) -> (i32, i32, i32) {
    %c0_i32 = arith.constant 0 : i32
    %c0_i32_0 = arith.constant 0 : i32
    %c0_i32_1 = arith.constant 0 : i32
    return %c0_i32, %arg0, %c0_i32_0 : i32, i32, i32
  }
  func.func @transform_2(%arg0: i32) -> (i32, i32) {
    %c0_i32 = arith.constant 0 : i32
    %c0_i32_0 = arith.constant 0 : i32
    return %arg0, %c0_i32 : i32, i32
  }
  func.func @transform_3(%arg0: i32) -> (i32, i32) {
    %c0_i32 = arith.constant 0 : i32
    %c0_i32_0 = arith.constant 0 : i32
    %c0_i32_1 = arith.constant 0 : i32
    return %c0_i32, %c0_i32_0 : i32, i32
  }
  func.func @transform_4(%arg0: i32) -> (i32, i32) {
    %c0_i32 = arith.constant 0 : i32
    %c0_i32_0 = arith.constant 0 : i32
    %c0_i32_1 = arith.constant 0 : i32
    return %c0_i32, %c0_i32_0 : i32, i32
  }
  func.func @transform_5(%arg0: i32) -> (i32, i32) {
    %c0_i32 = arith.constant 0 : i32
    %c0_i32_0 = arith.constant 0 : i32
    %c0_i32_1 = arith.constant 0 : i32
    return %c0_i32, %c0_i32_0 : i32, i32
  }
  func.func @transform_6(%arg0: i32) -> (i32, i32) {
    %c0_i32 = arith.constant 0 : i32
    %c0_i32_0 = arith.constant 0 : i32
    return %arg0, %c0_i32 : i32, i32
  }
}

module attributes {stable_mosaic.version = 14 : i64} {
  func.func @_tc_out(%arg0: i32, %arg1: memref<2x2000x1xf32, #tpu.memory_space<vmem>>, %arg2: memref<2x2000x16xf32, #tpu.memory_space<vmem>>, %arg3: memref<2000x16xf32, #tpu.memory_space<vmem>>, %arg4: memref<1x16xf32, #tpu.memory_space<vmem>>, %arg5: memref<2000x16xf32, #tpu.memory_space<vmem>>) attributes {dimension_semantics = [#tpu.dimension_semantics<arbitrary>], iteration_bounds = array<i64: 5>, scalar_prefetch = 0 : i64, scratch_operands = 0 : i64, tpu.core_type = #tpu.core_type<tc>, window_params = [{transform_indices = @transform_0, window_bounds = array<i64: 2, 2000, 1>}, {transform_indices = @transform_1, window_bounds = array<i64: 2, 2000, 16>}, {transform_indices = @transform_2, window_bounds = array<i64: 2000, 16>}, {pipeline_mode = #tpu.pipeline_mode<synchronous>, transform_indices = @transform_3, window_bounds = array<i64: 1, 16>}, {transform_indices = @transform_4, window_bounds = array<i64: 2000, 16>}]} {
    %get3A = arith.constant 0 : index
    %get3A_0 = arith.constant 0 : index
    %get3A_1 = arith.constant 0 : index
    %get3A_2 = vector.load %arg1[%get3A, %get3A_0, %get3A_1] : memref<2x2000x1xf32, #tpu.memory_space<vmem>>, vector<1x2000x1xf32>
    %get3A_3 = vector.shape_cast %get3A_2 : vector<1x2000x1xf32> to vector<2000x1xf32>
    %get3A_4 = arith.constant 1 : index
    %get3A_5 = arith.constant 0 : index
    %get3A_6 = arith.constant 0 : index
    %get3A_7 = vector.load %arg1[%get3A_4, %get3A_5, %get3A_6] : memref<2x2000x1xf32, #tpu.memory_space<vmem>>, vector<1x2000x1xf32>
    %get3A_8 = vector.shape_cast %get3A_7 : vector<1x2000x1xf32> to vector<2000x1xf32>
    %add3A = arith.addf %get3A_3, %get3A_8 : vector<2000x1xf32>
    %add3A_9 = arith.constant 1.000000e+00 : f32
    %add3A_10 = vector.broadcast %add3A_9 : f32 to vector<2000x1xf32>
    %add3A_11 = arith.addf %add3A, %add3A_10 : vector<2000x1xf32>
    %rsqrt3A = math.rsqrt %add3A_11 : vector<2000x1xf32>
    %get3A_12 = arith.constant 0 : index
    %get3A_13 = arith.constant 0 : index
    %get3A_14 = arith.constant 0 : index
    %get3A_15 = vector.load %arg2[%get3A_12, %get3A_13, %get3A_14] : memref<2x2000x16xf32, #tpu.memory_space<vmem>>, vector<1x2000x16xf32>
    %get3A_16 = vector.shape_cast %get3A_15 : vector<1x2000x16xf32> to vector<2000x16xf32>
    %get3A_17 = arith.constant 1 : index
    %get3A_18 = arith.constant 0 : index
    %get3A_19 = arith.constant 0 : index
    %get3A_20 = vector.load %arg2[%get3A_17, %get3A_18, %get3A_19] : memref<2x2000x16xf32, #tpu.memory_space<vmem>>, vector<1x2000x16xf32>
    %get3A_21 = vector.shape_cast %get3A_20 : vector<1x2000x16xf32> to vector<2000x16xf32>
    %add3A_22 = arith.addf %get3A_16, %get3A_21 : vector<2000x16xf32>
    %get3A_23 = arith.constant 0 : index
    %get3A_24 = arith.constant 0 : index
    %get3A_25 = vector.load %arg3[%get3A_23, %get3A_24] : memref<2000x16xf32, #tpu.memory_space<vmem>>, vector<2000x16xf32>
    %add3A_26 = arith.addf %add3A_22, %get3A_25 : vector<2000x16xf32>
    %mul3A = vector.broadcast %rsqrt3A : vector<2000x1xf32> to vector<2000x16xf32>
    %mul3A_27 = arith.mulf %mul3A, %add3A_26 : vector<2000x16xf32>
    %get3A_28 = arith.constant 0 : index
    %get3A_29 = arith.constant 0 : index
    %get3A_30 = vector.load %arg4[%get3A_28, %get3A_29] : memref<1x16xf32, #tpu.memory_space<vmem>>, vector<1x16xf32>
    %add3A_31 = vector.broadcast %get3A_30 : vector<1x16xf32> to vector<2000x16xf32>
    %add3A_32 = arith.addf %mul3A_27, %add3A_31 : vector<2000x16xf32>
    %reduce_max3A = arith.constant dense<0xFF800000> : vector<2000xf32>
    %reduce_max3A_33 = vector.multi_reduction <maximumf>, %add3A_32, %reduce_max3A [1] : vector<2000x16xf32> to vector<2000xf32>
    %broadcast_in_dim3A = vector.shape_cast %reduce_max3A_33 : vector<2000xf32> to vector<2000x1xf32>
    %sub3A = vector.broadcast %broadcast_in_dim3A : vector<2000x1xf32> to vector<2000x16xf32>
    %sub3A_34 = arith.subf %add3A_32, %sub3A : vector<2000x16xf32>
    %exp3A = math.exp %sub3A_34 : vector<2000x16xf32>
    %reduce_sum3A = arith.constant dense<0.000000e+00> : vector<2000xf32>
    %reduce_sum3A_35 = vector.multi_reduction <add>, %exp3A, %reduce_sum3A [1] : vector<2000x16xf32> to vector<2000xf32>
    %broadcast_in_dim3A_36 = vector.shape_cast %reduce_sum3A_35 : vector<2000xf32> to vector<2000x1xf32>
    %div3A = vector.broadcast %broadcast_in_dim3A_36 : vector<2000x1xf32> to vector<2000x16xf32>
    %div3A_37 = arith.divf %exp3A, %div3A : vector<2000x16xf32>
    %swap3A = arith.constant 0 : index
    %swap3A_38 = arith.constant 0 : index
    %swap3A_39 = vector.load %arg5[%swap3A, %swap3A_38] : memref<2000x16xf32, #tpu.memory_space<vmem>>, vector<2000x16xf32>
    tpu.vector_store %arg5[%swap3A, %swap3A_38], %div3A_37 {strides = array<i32>} : memref<2000x16xf32, #tpu.memory_space<vmem>>, vector<2000x16xf32>,
    return
  }
  func.func @transform_0(%arg0: i32) -> (i32, i32, i32) {
    %c0_i32 = arith.constant 0 : i32
    %c0_i32_0 = arith.constant 0 : i32
    %c0_i32_1 = arith.constant 0 : i32
    return %c0_i32, %arg0, %c0_i32_0 : i32, i32, i32
  }
  func.func @transform_1(%arg0: i32) -> (i32, i32, i32) {
    %c0_i32 = arith.constant 0 : i32
    %c0_i32_0 = arith.constant 0 : i32
    %c0_i32_1 = arith.constant 0 : i32
    return %c0_i32, %arg0, %c0_i32_0 : i32, i32, i32
  }
  func.func @transform_2(%arg0: i32) -> (i32, i32) {
    %c0_i32 = arith.constant 0 : i32
    %c0_i32_0 = arith.constant 0 : i32
    return %arg0, %c0_i32 : i32, i32
  }
  func.func @transform_3(%arg0: i32) -> (i32, i32) {
    %c0_i32 = arith.constant 0 : i32
    %c0_i32_0 = arith.constant 0 : i32
    %c0_i32_1 = arith.constant 0 : i32
    return %c0_i32, %c0_i32_0 : i32, i32
  }
  func.func @transform_4(%arg0: i32) -> (i32, i32) {
    %c0_i32 = arith.constant 0 : i32
    %c0_i32_0 = arith.constant 0 : i32
    return %arg0, %c0_i32 : i32, i32
  }
}

</mosaic_0001>

<sc_bundles>
// kernel: kernel.11.cloned.1.call-start
scs
__scs_entry_jumppad:
0x0: {  	(pc) =	sbr.rel $0x88, $3  }
0x1: {  	(tag) =	ssettag $0x0;
	lr =	simm.s32 $0x1  }
0x2: {  	[smem:$0x3F9B] =	sst lr;
	_ =	strace $0xD0000000  }
0x3: {  	_ = 	snop  }
0x4: {  	_ = 	snop  }
0x5: {  	_ = 	snop  }
0x6: {  	_ = 	snop  }
0x7: {  	_ = 	snop  }
__scs_overlays_trampoline_lowered:
0x8: {  	[smem:$0x3FAA] =	sst s0  }
0x9: {  	[smem:$0x3FAB] =	sst s1  }
0xa: {  	[smem:$0x3FAC] =	sst s2  }
0xb: {  	[smem:$0x3FAD] =	sst s3  }
0xc: {  	[smem:$0x3FAE] =	sst s4  }
0xd: {  	[smem:$0x3FAF] =	sst s5  }
0xe: {  	[smem:$0x3FB0] =	sst s6  }
0xf: {  	[smem:$0x3FB1] =	sst s7  }
0x10: {  	[smem:$0x3FB2] =	sst s8  }
0x11: {  	[smem:$0x3FB3] =	sst s9;
	s0 =	simm.s32 @!p0 $0x0  }
0x12: {  	s1 =	sld [smem:$0x3F99];
	s0 =	simm.s32 @p0 $0x1  }
0x13: {  	[smem:$0x3FB4] =	sst s0;
	s0 =	simm.s32 @!p1 $0x0  }
0x14: {  	s2 =	sld [smem:$0x3F98];
	s0 =	simm.s32 @p1 $0x1  }
0x15: {  	[smem:$0x3FB5] =	sst s0;
	s0 =	simm.s32 @!p2 $0x0  }
0x16: {  	s3 =	sld [smem:$0x3FDB];
	s0 =	simm.s32 @p2 $0x1  }
0x17: {  	s4 =	simm.s32 $0x1BF5;
	[smem:$0x3FB7] =	sst s0  }
0x18: {  	s0 =	sld [smem:$0x3F9A];
	_ =	swait.ge [sflag:s4], $0x0  }
0x19: {  	s7 =	sld [smem:$0x3F9B]  }
0x1a: {  	s8 =	sadd.s32 $0xFFFFE003, lr  }
0x1b: {  	s9 =	sadd.s32 $0xFFFFFEF7, lr;
	s5 =	simm.s32 $0xFFFFFFFF;
	p2 =	slt.u32 s8, $0xFFFFF086  }
0x1c: {  	p1 =	slt.u32 s9, $0xF7A;
	s5 =	simm.s32 @!p2 $0x0  }
0x1d: {  	s5 =	simm.s32 @p1 $0x1;
	p0 =	seq.s32 s7, s2  }
0x1e: {  	s7 =	smul.u32 @!p0 $0xF7A, s2;
	p2 =	seq.s32 @!p0 s5, $0x0  }
0x1f: {  	s9 =	smul.u32 $0xF7A, s1;
	s8 =	simm.s32 @!p0 $0x1BF5;
	p2 =	por !p2, p0  }
0x20: {  	[sflag:s8] =	ssyncset.s32 @!p0 $0xFFFFF086;
	s6 =	sadd.s32 @!p0 s3, s7;
	s7 =	simm.s32 @!p0 $0x108  }
0x21: {  	s3 =	sadd.s32 s3, s9;
	s6 =	sadd.s32 @!p0 $0x88, s6;
	s7 =	simm.s32 @p2 $0x1082  }
0x22: {  	[simem:s7], [sflag:s8] =	dma.local @!p0 [hbm:s6], $0xF7A  }
0x23: {  	s9 =	sor.u32 $0xD0000000, s2;
	s6 =	simm.s32 $0x108;
	_ =	swait.ge @!p0 [sflag:s8], $0x0  }
0x24: {  	s3 =	sadd.s32 $0x88, s3;
	s6 =	simm.s32 @!p1 $0x1082;
	[sflag:s4] =	ssyncset.s32 $0xFFFFF086  }
0x25: {  	[simem:s6], [sflag:s4] =	dma.local [hbm:s3], $0xF7A  }
0x26: {  	[smem:$0x3F9B] =	sst s1;
	(tag) =	ssettag s2;
	_ =	strace s9  }
0x27: {  	s1 =	sld [smem:$0x3FAB]  }
0x28: {  	s2 =	sld [smem:$0x3FAC]  }
0x29: {  	s4 =	sld [smem:$0x3FAE]  }
0x2a: {  	p0 =	seq.s32 s5, $0x0;
	s5 =	sld [smem:$0x3FAF]  }
0x2b: {  	s6 =	sld [smem:$0x3FB0]  }
0x2c: {  	s7 =	sld [smem:$0x3FB1]  }
0x2d: {  	s3 =	simm.s32 $0x108;
	s8 =	sld [smem:$0x3FB2]  }
0x2e: {  	s3 =	simm.s32 @!p0 $0x1082;
	s9 =	sld [smem:$0x3FB3]  }
0x2f: {  	lr =	sadd.s32 s0, s3;
	s0 =	sld [smem:$0x3FAA]  }
0x30: {  	s3 =	sld [smem:$0x3FAD]  }
0x31: {  	[smem:$0x3FB6] =	sst s10  }
0x32: {  	s10 =	sld [smem:$0x3FB4];
	_ =	sdelay $0x3  }
0x33: {  	p0 =	seq.s32 s10, $0x1;
	s10 =	sld [smem:$0x3FB6];
	_ =	sdelay $0x3  }
0x34: {  	[smem:$0x3FB6] =	sst s10  }
0x35: {  	s10 =	sld [smem:$0x3FB5];
	_ =	sdelay $0x3  }
0x36: {  	p1 =	seq.s32 s10, $0x1;
	s10 =	sld [smem:$0x3FB6];
	_ =	sdelay $0x3  }
0x37: {  	[smem:$0x3FB6] =	sst s10  }
0x38: {  	s10 =	sld [smem:$0x3FB7]  }
0x39: {  	_ = 	snop;
	(pc) =	sbr.ind lr, $3  }
0x3a: {  	_ = 	snop  }
0x3b: {  	_ = 	snop  }
0x3c: {  	p2 =	seq.s32 s10, $0x1;
	s10 =	sld [smem:$0x3FB6]  }
0x3d: {  	_ =	shalt  }
0x3e: {  	_ =	shalt  }
0x3f: {  	_ =	shalt  }
0x40: {  	_ =	shalt  }
0x41: {  	_ =	shalt  }
0x42: {  	_ =	shalt  }
0x43: {  	_ =	shalt  }
0x44: {  	_ =	shalt  }
0x45: {  	_ =	shalt  }
0x46: {  	_ =	shalt  }
0x47: {  	_ =	shalt  }
0x48: {  	_ =	shalt  }
0x49: {  	_ =	shalt  }
0x4a: {  	_ =	shalt  }
0x4b: {  	_ =	shalt  }
0x4c: {  	_ =	shalt  }
0x4d: {  	_ =	shalt  }
0x4e: {  	_ =	shalt  }
0x4f: {  	_ =	shalt  }
0x50: {  	_ =	shalt  }
0x51: {  	_ =	shalt  }
0x52: {  	_ =	shalt  }
0x53: {  	_ =	shalt  }
0x54: {  	_ =	shalt  }
0x55: {  	_ =	shalt  }
0x56: {  	_ =	shalt  }
0x57: {  	_ =	shalt  }
0x58: {  	_ =	shalt  }
0x59: {  	_ =	shalt  }
0x5a: {  	_ =	shalt  }
0x5b: {  	_ =	shalt  }
0x5c: {  	_ =	shalt  }
0x5d: {  	_ =	shalt  }
0x5e: {  	_ =	shalt  }
0x5f: {  	_ =	shalt  }
0x60: {  	_ =	shalt  }
0x61: {  	_ =	shalt  }
0x62: {  	_ =	shalt  }
0x63: {  	_ =	shalt  }
0x64: {  	_ =	shalt  }
0x65: {  	_ =	shalt  }
0x66: {  	_ =	shalt  }
0x67: {  	_ =	shalt  }
0x68: {  	_ =	shalt  }
0x69: {  	_ =	shalt  }
0x6a: {  	_ =	shalt  }
0x6b: {  	_ =	shalt  }
0x6c: {  	_ =	shalt  }
0x6d: {  	_ =	shalt  }
0x6e: {  	_ =	shalt  }
0x6f: {  	_ =	shalt  }
0x70: {  	_ =	shalt  }
0x71: {  	_ =	shalt  }
0x72: {  	_ =	shalt  }
0x73: {  	_ =	shalt  }
0x74: {  	_ =	shalt  }
0x75: {  	_ =	shalt  }
0x76: {  	_ =	shalt  }
0x77: {  	_ =	shalt  }
0x78: {  	_ =	shalt  }
0x79: {  	_ =	shalt  }
0x7a: {  	_ =	shalt  }
0x7b: {  	_ =	shalt  }
0x7c: {  	_ =	shalt  }
0x7d: {  	_ =	shalt  }
0x7e: {  	_ =	shalt  }
0x7f: {  	_ =	shalt  }
0x80: {  	_ =	shalt  }
0x81: {  	_ =	shalt  }
0x82: {  	_ =	shalt  }
0x83: {  	_ =	shalt  }
0x84: {  	_ =	shalt  }
0x85: {  	_ =	shalt  }
0x86: {  	_ =	shalt  }
0x87: {  	_ =	shalt  }
.Lfunc_end0:
.L_simem_size_0:
called_computation.1_lowered:
.L_overlay_start_0:
0x88: {  	s2 =	sld [smem:$0x3FD9]  }
0x89: {  	s3 =	sld [smem:$0x3FFE];
	_ =	sdelay $0x1  }
0x8a: {  	s1 =	srdreg.scid  }
0x8b: {  	s0 =	sand.u32 $0x1, s1  }
0x8c: {  	s17 =	sshll.u32 s0, $0xA;
	s2 =	sadd.s32 s3, s2  }
0x8d: {  	s2 =	sadd.s32 s2, s17  }
0x8e: {  	[smem:$0x3FC2] =	sst s2  }
0x8f: {  	_ = 	snop  }
0x90: {  	s2 =	sld [smem:$0x3FD0];
	(tm) =	ssettm $0x1  }
0x91: {  	s18 =	sld [smem:$0x3FFB];
	_ =	sdelay $0x3  }
0x92: {  	_ =	strace s18  }
0x93: {  	s3 =	sld [smem:$0x3FFC];
	_ =	sdelay $0x3  }
0x94: {  	_ =	strace s3  }
0x95: {  	s3 =	sld [smem:$0x3FFD];
	_ =	sdelay $0x3  }
0x96: {  	_ =	strace s3  }
0x97: {  	_ =	strace $0x8FFFFFFF  }
0x98: {  	s19 =	sld [smem:$0x3FDB];
	_ =	sdelay $0x1  }
0x99: {  	s4 =	simm.s32 $_scs_section_size  }
0x9a: {  	s5 =	simm.s32 $_size__tile_overlayer_lowered;
	s6 =	simm.s32 $_tile_overlayer_lowered  }
0x9b: {  	s22 =	simm.s32 $0x1BFF;
	s21 =	sshll.u32 s6, $0x1;
	s3 =	sadd.s32 s4, s19  }
0x9c: {  	s7 =	simm.s32 $0x0;
	s20 =	sshll.u32 s5, $0x1;
	s5 =	sadd.s32 s21, s3  }
0x9d: {  	[timem:s7], [sflag:s22] =	dma.local [hbm:s5], s20  }
0x9e: {  	_ =	swait.ge [sflag:s22], s20  }
0x9f: {  	s4 =	ssub.s32 $0x0, s20;
	[sflag:s22] =	ssyncset.done $0x0  }
0xa0: {  	[sflag:s22] =	ssyncadd.s32 s4;
	_ =	sdelay $0x1  }
0xa1: {  	s23 =	simm.s32 $0x1B8B  }
0xa2: {  	_ =	swait.ge [sflag:s23], $0x1  }
0xa3: {  	[sflag:s23] =	ssyncset.done $0x0  }
0xa4: {  	s25 =	simm.s32 $0x1B8E;
	s24 =	sld [smem:$0x3FFE];
	[sflag:s23] =	ssyncadd.s32 $0xFFFFFFFF  }
0xa5: {  	s26 =	simm.s32 $execute0_lowered;
	[smem:$0x3FD2] =	sst s25  }
0xa6: {  	s5 =	sshll.u32 s26, $0x1;
	_ =	strace $0x80000049;
	[dreg:$0x1] =	wrdreg $0xFFFFFFFF  }
0xa7: {  	s28 =	simm.s32 $_size_execute0_lowered;
	s3 =	sadd.s32 s3, s5;
	[dreg:$0x0] =	wrdreg $0x0  }
0xa8: {  	s5 =	sshll.u32 s28, $0x1;
	[dreg:$0x2] =	wrdreg s3  }
0xa9: {  	[dreg:$0x3] =	wrdreg s5  }
0xaa: {  	[dreg:$0x4] =	wrdreg $0xC0  }
0xab: {  	_ =	task [dreg:s7], $0x5FFFF  }
0xac: {  	[dreg:$0x1] =	wrdreg $0xFFFFFFFF  }
0xad: {  	[dreg:$0x0] =	wrdreg $0x60  }
0xae: {  	[dreg:$0x2] =	wrdreg s24  }
0xaf: {  	[dreg:$0x3] =	wrdreg s2  }
0xb0: {  	[dreg:$0x4] =	wrdreg $0x0  }
0xb1: {  	[dreg:$0x5] =	wrdreg $0x9  }
0xb2: {  	_ =	task.clear_ibuf [dreg:s7], $0x6FFFF;
	_ =	strace $0x90000049  }
0xb3: {  	s29 =	simm.s32 $0x9;
	_ =	strace $0x8000004B  }
0xb4: {  	_ =	swait.ge [sflag:s29], $0x1  }
0xb5: {  	[sflag:s29] =	ssyncadd.s32 $0xFFFFFFFF  }
0xb6: {  	_ =	strace $0x9000004B  }
0xb7: {  	_ =	sfence  }
0xb8: {  	s30 =	sld [smem:$0x0];
	_ =	sdelay $0x2  }
0xb9: {  	s31 =	sshll.u32 s1, $0xD;
	s1 =	sshrl.u32 s1, $0x2  }
0xba: {  	s3 =	sand.u32 $0x4000, s31;
	s1 =	sadd.s32 s1, s30  }
0xbb: {  	s0 =	sor.u32 s3, s0;
	s1 =	sshll.u32 s1, $0x11  }
0xbc: {  	s0 =	sor.u32 s1, s0  }
0xbd: {  	s0 =	sadd.s32 $0x8F2B, s0  }
0xbe: {  	[sflag:s0] =	ssyncadd.remote.s32 $0x1  }
0xbf: {  	_ =	sfence.sel $0xFFFF  }
0xc0: {  	[dreg:$0x0] =	wrdreg $0xFFFFFFFF;
	(pc) =	sbr.abs _section_cstart, $3  }
0xc1: {  	[dreg:$0x1] =	wrdreg $0xFFFFFFFF  }
0xc2: {  	_ =	task.clear_ibuf [dreg:s7], $0x2FFFF;
	_ =	strace $0x9FFFFFFF  }
0xc3: {  	(tm) =	ssettm $0x7FFFFFFF  }
tec
execute0_lowered:
.L_overlay_start_1:
0x0: {  	(tag) =	ssettag $0x1  }
0x1: {  	s6 =	rddreg [dreg:$0x0]  }
0x2: {  	s2 =	rddreg [dreg:$0x1]  }
0x3: {  	s3 =	rddreg [dreg:$0x2]  }
0x4: {  	s0 =	rddreg [dreg:$0x3];
	s4 =	srdreg.scid  }
0x5: {  	s1 =	stileid.u32;
	s13 =	simm.s32 $0x13880;
	s14 =	simm.s32 $0x15F90  }
0x6: {  	s15 =	simm.s32 $0x50;
	s16 =	simm.s32 $0x186A0;
	s17 =	simm.s32 $0x1  }
0x7: {  	s18 =	simm.s32 $0x1AEA0;
	s19 =	simm.s32 $0x2;
	s20 =	simm.s32 $0x3  }
0x8: {  	s21 =	simm.s32 $0x4;
	s22 =	simm.s32 $0x18650;
	s23 =	simm.s32 $0x0  }
0x9: {  	s7 =	sand.u32 $0x1, s4;
	s5 =	sshll.u32 s1, $0x1;
	s8 =	smul.u32 $0x13880, s1  }
0xa: {  	s4 =	simm.s32 $0x0;
	s31 =	sshll.u32 s1, $0x6;
	s5 =	sor.u32 s7, s5  }
0xb: {  	s9 =	smul.u32 $0x138800, s7;
	[smem:$0x7FF] =	sst s4;
	s7 =	ssub.s32 $0x2, s7  }
0xc: {  	s10 =	smul.u32 $0x2710, s5;
	_ =	strace $0x8000004A;
	s5 =	sadd.s32 $0x16200, s6  }
0xd: {  	s30 =	sshrl.u32 s7, $0x1;
	s12 =	sadd.s32 s8, s3;
	s9 =	sadd.s32 s8, s9  }
0xe: {  	s11 =	ssub.s32 s7, s30;
	s10 =	sshrl.u32 s10, $0x3;
	s9 =	sshrl.u32 s9, $0x3  }
0xf: {  	s10 =	sadd.s32 s10, s6;
	s9 =	sadd.s32 s9, s6;
	s6 =	sor.u32 $0x1C05, s31  }
0x10: {  	s7 =	sadd.s32 $0x2000, s10;
	s8 =	sadd.s32 $0xBC40, s10;
	s9 =	sadd.s32 $0x3D400, s9  }
0x11: {  	s10 =	smax.u32 s11, $0x1;
	s11 =	sshrl.u32 s12, $0x3;
	s12 =	simm.s32 $0x5  }
.LBB2_1:
0x12: {  	[spmem:s11], [sflag:s6] =	dma.local [hbm:s2], $0x2710  }
0x13: {  	_ =	swait.ge [sflag:s12], $0x2710  }
0x14: {  	[sflag:s12] =	ssyncset.done $0x0  }
0x15: {  	[sflag:s12] =	ssyncadd.s32 $0xFFFFD8F0  }
0x16: {  	[tilespmem:s13], [sflag:$0x5] =	stream.linear.gather [hbm4b:s7+s4], $0x2710, $0x38;
	[tilespmem:$0x1D6A0] =	vst v63  }
0x17: {  	_ =	swait.ge [sflag:s12], $0x2710  }
0x18: {  	[sflag:s12] =	ssyncset.done $0x0  }
0x19: {  	[sflag:s12] =	ssyncadd.s32 $0xFFFFD8F0  }
0x1a: {  	[tilespmem:s14], [sflag:$0x5] =	stream.linear.gather [hbm4b:s8+s4], $0x2710, $0x38;
	[tilespmem:$0x1D6A0] =	vst v63  }
0x1b: {  	_ =	swait.ge [sflag:s12], $0x2710  }
0x1c: {  	[sflag:s12] =	ssyncset.done $0x0  }
0x1d: {  	[sflag:s12] =	ssyncadd.s32 $0xFFFFD8F0  }
0x1e: {  	[bflag:$0x0] =	sbarrier.arrive $0xFFFF  }
0x1f: {  	[tilespmem:s16], [sflag:$0x1] =	stream.indirect.gather [hbm4b:s5+s15], $0x80, s13, s15, $0xb8;
	[tilespmem:$0x1D6A0] =	vst v63  }
0x20: {  	_ =	swait.ge [sflag:s17], $0x2800  }
0x21: {  	[sflag:s17] =	ssyncset.done $0x0  }
0x22: {  	s24 =	simm.s32 $0x138D0;
	[sflag:s17] =	ssyncadd.s32 $0xFFFFD800  }
0x23: {  	[tilespmem:s18], [sflag:$0x2] =	stream.indirect.gather [hbm4b:s5+s15], $0x80, s24, s15, $0xb8;
	[tilespmem:$0x1D6A0] =	vst v63  }
0x24: {  	s29 =	simm.s32 $0x15F90  }
0x25: {  	[spmem:s3] =	stream.indirect.scatter.add.f32 [tilespmem:s16], [sflag:$0x3], $0x80, s29, s15, $0xb8;
	[tilespmem:$0x1D6A0] =	vst v63  }
0x26: {  	_ =	swait.ge [sflag:s19], $0x2800  }
0x27: {  	[sflag:s19] =	ssyncset.done $0x0  }
0x28: {  	s30 =	simm.s32 $0x15FE0;
	[sflag:s19] =	ssyncadd.s32 $0xFFFFD800  }
0x29: {  	[spmem:s3] =	stream.indirect.scatter.add.f32 [tilespmem:s18], [sflag:$0x4], $0x80, s30, s15, $0xb8;
	[tilespmem:$0x1D6A0] =	vst v63  }
0x2a: {  	_ =	swait.ge [sflag:s20], $0x2800  }
0x2b: {  	[sflag:s20] =	ssyncset.done $0x0  }
0x2c: {  	s31 =	simm.s32 $0x13920;
	[sflag:s20] =	ssyncadd.s32 $0xFFFFD800  }
0x2d: {  	[tilespmem:s16], [sflag:$0x1] =	stream.indirect.gather [hbm4b:s5+s15], $0x80, s31, s15, $0xb8;
	[tilespmem:$0x1D6A0] =	vst v63  }
0x2e: {  	_ =	swait.ge [sflag:s21], $0x2800  }
0x2f: {  	s24 =	simm.s32 $0x280;
	[sflag:s21] =	ssyncset.done $0x0  }
.LBB2_2:
0x30: {  	p0 =	sne.s32 s24, $0x9880  }
0x31: {  	[sflag:s21] =	ssyncadd.s32 $0xFFFFD800;
	s25 =	smov.u32 s24;
	s24 =	sadd.s32 $0x280, s24  }
0x32: {  	_ =	swait.ge [sflag:s17], $0x2800  }
0x33: {  	s25 =	sshra.s32 s25, $0x2;
	[sflag:s17] =	ssyncset.done $0x0  }
0x34: {  	s26 =	sadd.s32 $0x138D0, s25;
	[sflag:s17] =	ssyncadd.s32 $0xFFFFD800  }
0x35: {  	[tilespmem:s18], [sflag:$0x2] =	stream.indirect.gather [hbm4b:s5+s15], $0x80, s26, s15, $0xb8;
	[tilespmem:$0x1D6A0] =	vst v63  }
0x36: {  	s26 =	sadd.s32 $0x15F90, s25  }
0x37: {  	[spmem:s3] =	stream.indirect.scatter.add.f32 [tilespmem:s16], [sflag:$0x3], $0x80, s26, s15, $0xb8;
	[tilespmem:$0x1D6A0] =	vst v63  }
0x38: {  	_ =	swait.ge [sflag:s19], $0x2800  }
0x39: {  	[sflag:s19] =	ssyncset.done $0x0  }
0x3a: {  	s26 =	sadd.s32 $0x15FE0, s25;
	[sflag:s19] =	ssyncadd.s32 $0xFFFFD800  }
0x3b: {  	[spmem:s3] =	stream.indirect.scatter.add.f32 [tilespmem:s18], [sflag:$0x4], $0x80, s26, s15, $0xb8;
	[tilespmem:$0x1D6A0] =	vst v63  }
0x3c: {  	_ =	swait.ge [sflag:s20], $0x2800  }
.Ltmp0:
0x3d: {  	[sflag:s20] =	ssyncset.done $0x0;
	(pc) =	sbr.rel @p0 .LBB2_2-.Ltmp0, $4  }
0x3e: {  	s25 =	sadd.s32 $0x13920, s25;
	[sflag:s20] =	ssyncadd.s32 $0xFFFFD800  }
0x3f: {  	[tilespmem:s16], [sflag:$0x1] =	stream.indirect.gather [hbm4b:s5+s15], $0x80, s25, s15, $0xb8;
	[tilespmem:$0x1D6A0] =	vst v63  }
0x40: {  	_ =	swait.ge [sflag:s21], $0x2800  }
0x41: {  	[sflag:s21] =	ssyncset.done $0x0  }
0x42: {  	[sflag:s21] =	ssyncadd.s32 $0xFFFFD800  }
0x43: {  	_ =	swait.ge [sflag:s17], $0x2800  }
0x44: {  	[sflag:s17] =	ssyncset.done $0x0  }
0x45: {  	[sflag:s17] =	ssyncadd.s32 $0xFFFFD800  }
0x46: {  	[spmem:s3] =	stream.indirect.scatter.add.f32 [tilespmem:s16], [sflag:$0x5], $0x80, s22, s15, $0xb8;
	[tilespmem:$0x1D6A0] =	vst v63  }
0x47: {  	_ =	swait.ge [sflag:s12], $0x2800  }
0x48: {  	s23 =	sadd.s32 $0x1, s23;
	[sflag:s12] =	ssyncset.done $0x0  }
0x49: {  	p0 =	sne.s32 s23, s10;
	[sflag:s12] =	ssyncadd.s32 $0xFFFFD800  }
.Ltmp1:
0x4a: {  	[bflag:$0x0] =	sbarrier.arrive $0xFFFF;
	(pc) =	sbr.rel @p0 .LBB2_1-.Ltmp1, $4  }
0x4b: {  	[hbm:s9], [sflag:s6] =	dma.local [spmem:s11], $0x2710  }
0x4c: {  	_ =	swait.ge [sflag:s12], $0x2710  }
0x4d: {  	[sflag:s12] =	ssyncset.done $0x0  }
0x4e: {  	[sflag:s12] =	ssyncadd.s32 $0xFFFFD8F0  }
0x4f: {  	_ =	sfence.sel $0x180000  }
0x50: {  	[bflag:$0x0] =	sbarrier.arrive $0xFFFF  }
0x51: {  	p0 =	sne.s32 s1, $0x0;
	_ =	strace $0x9000004A  }
0x52: {  	s0 =	sadd.s32 @!p0 $0x100000, s0;
	[bflag:$0x2] =	sbarrier.arrive $0xFFFF  }
0x53: {  	[sflag:s0] =	ssyncadd.tile.s32 @!p0 $0x1;
	_ =	shalt  }
.Lfunc_end2:
_tile_overlayer_lowered:
.L_overlay_start_2:
0x54: {  	(tag) =	ssettag $0x2  }
0x55: {  	s0 =	rddreg [dreg:$0x0];
	s2 =	stileid.u32  }
0x56: {  	s1 =	rddreg [dreg:$0x1];
	p0 =	sne.s32 s2, $0x0  }
0x57: {  	s3 =	rddreg [dreg:$0x2];
	[bflag:$0x3] =	sbarrier.arrive $0xFFFF;
	s2 =	simm.s32 @!p0 $0x1C05  }
0x58: {  	[timem:s3], [sflag:s2] =	dma.local @!p0 [hbm:s0], s1  }
0x59: {  	s0 =	simm.s32 @!p0 $0x5  }
0x5a: {  	_ =	swait.ge @!p0 [sflag:s0], s1  }
0x5b: {  	s1 =	ssub.s32 @!p0 $0x0, s1;
	[sflag:s0] =	ssyncset.done @!p0 $0x0  }
0x5c: {  	[sflag:s0] =	ssyncadd.s32 @!p0 s1  }
0x5d: {  	[bflag:$0x3] =	sbarrier.arrive $0xFFFF  }
0x5e: {  	_ =	shalt  }

// kernel: kernel.14.cloned.1.call-start
scs
__scs_entry_jumppad:
0x0: {  	(pc) =	sbr.rel $0x88, $3  }
0x1: {  	(tag) =	ssettag $0x0;
	lr =	simm.s32 $0x1  }
0x2: {  	[smem:$0x3F9B] =	sst lr;
	_ =	strace $0xD0000000  }
0x3: {  	_ = 	snop  }
0x4: {  	_ = 	snop  }
0x5: {  	_ = 	snop  }
0x6: {  	_ = 	snop  }
0x7: {  	_ = 	snop  }
__scs_overlays_trampoline_lowered:
0x8: {  	[smem:$0x3FAA] =	sst s0  }
0x9: {  	[smem:$0x3FAB] =	sst s1  }
0xa: {  	[smem:$0x3FAC] =	sst s2  }
0xb: {  	[smem:$0x3FAD] =	sst s3  }
0xc: {  	[smem:$0x3FAE] =	sst s4  }
0xd: {  	[smem:$0x3FAF] =	sst s5  }
0xe: {  	[smem:$0x3FB0] =	sst s6  }
0xf: {  	[smem:$0x3FB1] =	sst s7  }
0x10: {  	[smem:$0x3FB2] =	sst s8  }
0x11: {  	[smem:$0x3FB3] =	sst s9;
	s0 =	simm.s32 @!p0 $0x0  }
0x12: {  	s1 =	sld [smem:$0x3F99];
	s0 =	simm.s32 @p0 $0x1  }
0x13: {  	[smem:$0x3FB4] =	sst s0;
	s0 =	simm.s32 @!p1 $0x0  }
0x14: {  	s2 =	sld [smem:$0x3F98];
	s0 =	simm.s32 @p1 $0x1  }
0x15: {  	[smem:$0x3FB5] =	sst s0;
	s0 =	simm.s32 @!p2 $0x0  }
0x16: {  	s3 =	sld [smem:$0x3FDB];
	s0 =	simm.s32 @p2 $0x1  }
0x17: {  	s4 =	simm.s32 $0x1BF5;
	[smem:$0x3FB7] =	sst s0  }
0x18: {  	s0 =	sld [smem:$0x3F9A];
	_ =	swait.ge [sflag:s4], $0x0  }
0x19: {  	s7 =	sld [smem:$0x3F9B]  }
0x1a: {  	s8 =	sadd.s32 $0xFFFFE003, lr  }
0x1b: {  	s9 =	sadd.s32 $0xFFFFFEF7, lr;
	s5 =	simm.s32 $0xFFFFFFFF;
	p2 =	slt.u32 s8, $0xFFFFF086  }
0x1c: {  	p1 =	slt.u32 s9, $0xF7A;
	s5 =	simm.s32 @!p2 $0x0  }
0x1d: {  	s5 =	simm.s32 @p1 $0x1;
	p0 =	seq.s32 s7, s2  }
0x1e: {  	s7 =	smul.u32 @!p0 $0xF7A, s2;
	p2 =	seq.s32 @!p0 s5, $0x0  }
0x1f: {  	s9 =	smul.u32 $0xF7A, s1;
	s8 =	simm.s32 @!p0 $0x1BF5;
	p2 =	por !p2, p0  }
0x20: {  	[sflag:s8] =	ssyncset.s32 @!p0 $0xFFFFF086;
	s6 =	sadd.s32 @!p0 s3, s7;
	s7 =	simm.s32 @!p0 $0x108  }
0x21: {  	s3 =	sadd.s32 s3, s9;
	s6 =	sadd.s32 @!p0 $0x88, s6;
	s7 =	simm.s32 @p2 $0x1082  }
0x22: {  	[simem:s7], [sflag:s8] =	dma.local @!p0 [hbm:s6], $0xF7A  }
0x23: {  	s9 =	sor.u32 $0xD0000000, s2;
	s6 =	simm.s32 $0x108;
	_ =	swait.ge @!p0 [sflag:s8], $0x0  }
0x24: {  	s3 =	sadd.s32 $0x88, s3;
	s6 =	simm.s32 @!p1 $0x1082;
	[sflag:s4] =	ssyncset.s32 $0xFFFFF086  }
0x25: {  	[simem:s6], [sflag:s4] =	dma.local [hbm:s3], $0xF7A  }
0x26: {  	[smem:$0x3F9B] =	sst s1;
	(tag) =	ssettag s2;
	_ =	strace s9  }
0x27: {  	s1 =	sld [smem:$0x3FAB]  }
0x28: {  	s2 =	sld [smem:$0x3FAC]  }
0x29: {  	s4 =	sld [smem:$0x3FAE]  }
0x2a: {  	p0 =	seq.s32 s5, $0x0;
	s5 =	sld [smem:$0x3FAF]  }
0x2b: {  	s6 =	sld [smem:$0x3FB0]  }
0x2c: {  	s7 =	sld [smem:$0x3FB1]  }
0x2d: {  	s3 =	simm.s32 $0x108;
	s8 =	sld [smem:$0x3FB2]  }
0x2e: {  	s3 =	simm.s32 @!p0 $0x1082;
	s9 =	sld [smem:$0x3FB3]  }
0x2f: {  	lr =	sadd.s32 s0, s3;
	s0 =	sld [smem:$0x3FAA]  }
0x30: {  	s3 =	sld [smem:$0x3FAD]  }
0x31: {  	[smem:$0x3FB6] =	sst s10  }
0x32: {  	s10 =	sld [smem:$0x3FB4];
	_ =	sdelay $0x3  }
0x33: {  	p0 =	seq.s32 s10, $0x1;
	s10 =	sld [smem:$0x3FB6];
	_ =	sdelay $0x3  }
0x34: {  	[smem:$0x3FB6] =	sst s10  }
0x35: {  	s10 =	sld [smem:$0x3FB5];
	_ =	sdelay $0x3  }
0x36: {  	p1 =	seq.s32 s10, $0x1;
	s10 =	sld [smem:$0x3FB6];
	_ =	sdelay $0x3  }
0x37: {  	[smem:$0x3FB6] =	sst s10  }
0x38: {  	s10 =	sld [smem:$0x3FB7]  }
0x39: {  	_ = 	snop;
	(pc) =	sbr.ind lr, $3  }
0x3a: {  	_ = 	snop  }
0x3b: {  	_ = 	snop  }
0x3c: {  	p2 =	seq.s32 s10, $0x1;
	s10 =	sld [smem:$0x3FB6]  }
0x3d: {  	_ =	shalt  }
0x3e: {  	_ =	shalt  }
0x3f: {  	_ =	shalt  }
0x40: {  	_ =	shalt  }
0x41: {  	_ =	shalt  }
0x42: {  	_ =	shalt  }
0x43: {  	_ =	shalt  }
0x44: {  	_ =	shalt  }
0x45: {  	_ =	shalt  }
0x46: {  	_ =	shalt  }
0x47: {  	_ =	shalt  }
0x48: {  	_ =	shalt  }
0x49: {  	_ =	shalt  }
0x4a: {  	_ =	shalt  }
0x4b: {  	_ =	shalt  }
0x4c: {  	_ =	shalt  }
0x4d: {  	_ =	shalt  }
0x4e: {  	_ =	shalt  }
0x4f: {  	_ =	shalt  }
0x50: {  	_ =	shalt  }
0x51: {  	_ =	shalt  }
0x52: {  	_ =	shalt  }
0x53: {  	_ =	shalt  }
0x54: {  	_ =	shalt  }
0x55: {  	_ =	shalt  }
0x56: {  	_ =	shalt  }
0x57: {  	_ =	shalt  }
0x58: {  	_ =	shalt  }
0x59: {  	_ =	shalt  }
0x5a: {  	_ =	shalt  }
0x5b: {  	_ =	shalt  }
0x5c: {  	_ =	shalt  }
0x5d: {  	_ =	shalt  }
0x5e: {  	_ =	shalt  }
0x5f: {  	_ =	shalt  }
0x60: {  	_ =	shalt  }
0x61: {  	_ =	shalt  }
0x62: {  	_ =	shalt  }
0x63: {  	_ =	shalt  }
0x64: {  	_ =	shalt  }
0x65: {  	_ =	shalt  }
0x66: {  	_ =	shalt  }
0x67: {  	_ =	shalt  }
0x68: {  	_ =	shalt  }
0x69: {  	_ =	shalt  }
0x6a: {  	_ =	shalt  }
0x6b: {  	_ =	shalt  }
0x6c: {  	_ =	shalt  }
0x6d: {  	_ =	shalt  }
0x6e: {  	_ =	shalt  }
0x6f: {  	_ =	shalt  }
0x70: {  	_ =	shalt  }
0x71: {  	_ =	shalt  }
0x72: {  	_ =	shalt  }
0x73: {  	_ =	shalt  }
0x74: {  	_ =	shalt  }
0x75: {  	_ =	shalt  }
0x76: {  	_ =	shalt  }
0x77: {  	_ =	shalt  }
0x78: {  	_ =	shalt  }
0x79: {  	_ =	shalt  }
0x7a: {  	_ =	shalt  }
0x7b: {  	_ =	shalt  }
0x7c: {  	_ =	shalt  }
0x7d: {  	_ =	shalt  }
0x7e: {  	_ =	shalt  }
0x7f: {  	_ =	shalt  }
0x80: {  	_ =	shalt  }
0x81: {  	_ =	shalt  }
0x82: {  	_ =	shalt  }
0x83: {  	_ =	shalt  }
0x84: {  	_ =	shalt  }
0x85: {  	_ =	shalt  }
0x86: {  	_ =	shalt  }
0x87: {  	_ =	shalt  }
.Lfunc_end0:
.L_simem_size_0:
called_computation.2_lowered:
.L_overlay_start_0:
0x88: {  	s2 =	sld [smem:$0x3FD9]  }
0x89: {  	s3 =	sld [smem:$0x3FFE];
	_ =	sdelay $0x1  }
0x8a: {  	s1 =	srdreg.scid  }
0x8b: {  	s0 =	sand.u32 $0x1, s1  }
0x8c: {  	s17 =	sshll.u32 s0, $0xA;
	s2 =	sadd.s32 s3, s2  }
0x8d: {  	s2 =	sadd.s32 s2, s17  }
0x8e: {  	[smem:$0x3FC2] =	sst s2  }
0x8f: {  	_ = 	snop  }
0x90: {  	s2 =	sld [smem:$0x3FD0];
	(tm) =	ssettm $0x1  }
0x91: {  	s18 =	sld [smem:$0x3FFB];
	_ =	sdelay $0x3  }
0x92: {  	_ =	strace s18  }
0x93: {  	s3 =	sld [smem:$0x3FFC];
	_ =	sdelay $0x3  }
0x94: {  	_ =	strace s3  }
0x95: {  	s3 =	sld [smem:$0x3FFD];
	_ =	sdelay $0x3  }
0x96: {  	_ =	strace s3  }
0x97: {  	_ =	strace $0x8FFFFFFF  }
0x98: {  	s19 =	sld [smem:$0x3FDB];
	_ =	sdelay $0x1  }
0x99: {  	s4 =	simm.s32 $_scs_section_size  }
0x9a: {  	s5 =	simm.s32 $_size__tile_overlayer_lowered;
	s6 =	simm.s32 $_tile_overlayer_lowered  }
0x9b: {  	s22 =	simm.s32 $0x1BFF;
	s21 =	sshll.u32 s6, $0x1;
	s3 =	sadd.s32 s4, s19  }
0x9c: {  	s7 =	simm.s32 $0x0;
	s20 =	sshll.u32 s5, $0x1;
	s5 =	sadd.s32 s21, s3  }
0x9d: {  	[timem:s7], [sflag:s22] =	dma.local [hbm:s5], s20  }
0x9e: {  	_ =	swait.ge [sflag:s22], s20  }
0x9f: {  	s4 =	ssub.s32 $0x0, s20;
	[sflag:s22] =	ssyncset.done $0x0  }
0xa0: {  	[sflag:s22] =	ssyncadd.s32 s4;
	_ =	sdelay $0x1  }
0xa1: {  	s23 =	simm.s32 $0x1B8B  }
0xa2: {  	_ =	swait.ge [sflag:s23], $0x1  }
0xa3: {  	[sflag:s23] =	ssyncset.done $0x0  }
0xa4: {  	s25 =	simm.s32 $0x1B8E;
	s24 =	sld [smem:$0x3FFE];
	[sflag:s23] =	ssyncadd.s32 $0xFFFFFFFF  }
0xa5: {  	s26 =	simm.s32 $execute0_lowered;
	[smem:$0x3FD2] =	sst s25  }
0xa6: {  	s5 =	sshll.u32 s26, $0x1;
	_ =	strace $0x8000004C;
	[dreg:$0x1] =	wrdreg $0xFFFFFFFF  }
0xa7: {  	s28 =	simm.s32 $_size_execute0_lowered;
	s3 =	sadd.s32 s3, s5;
	[dreg:$0x0] =	wrdreg $0x0  }
0xa8: {  	s5 =	sshll.u32 s28, $0x1;
	[dreg:$0x2] =	wrdreg s3  }
0xa9: {  	[dreg:$0x3] =	wrdreg s5  }
0xaa: {  	[dreg:$0x4] =	wrdreg $0xC0  }
0xab: {  	_ =	task [dreg:s7], $0x5FFFF  }
0xac: {  	[dreg:$0x1] =	wrdreg $0xFFFFFFFF  }
0xad: {  	[dreg:$0x0] =	wrdreg $0x60  }
0xae: {  	[dreg:$0x2] =	wrdreg s2  }
0xaf: {  	[dreg:$0x3] =	wrdreg s24  }
0xb0: {  	[dreg:$0x4] =	wrdreg $0x0  }
0xb1: {  	[dreg:$0x5] =	wrdreg $0xA7300  }
0xb2: {  	[dreg:$0x6] =	wrdreg $0x9  }
0xb3: {  	_ =	task.clear_ibuf [dreg:s7], $0x7FFFF;
	_ =	strace $0x9000004C  }
0xb4: {  	s29 =	simm.s32 $0x9;
	_ =	strace $0x8000004E  }
0xb5: {  	_ =	swait.ge [sflag:s29], $0x1  }
0xb6: {  	[sflag:s29] =	ssyncadd.s32 $0xFFFFFFFF  }
0xb7: {  	_ =	strace $0x9000004E  }
0xb8: {  	_ =	sfence  }
0xb9: {  	s30 =	sld [smem:$0x0];
	_ =	sdelay $0x2  }
0xba: {  	s31 =	sshll.u32 s1, $0xD;
	s1 =	sshrl.u32 s1, $0x2  }
0xbb: {  	s3 =	sand.u32 $0x4000, s31;
	s1 =	sadd.s32 s1, s30  }
0xbc: {  	s0 =	sor.u32 s3, s0;
	s1 =	sshll.u32 s1, $0x11  }
0xbd: {  	s0 =	sor.u32 s1, s0  }
0xbe: {  	s0 =	sadd.s32 $0x8F2B, s0  }
0xbf: {  	[sflag:s0] =	ssyncadd.remote.s32 $0x1  }
0xc0: {  	_ =	sfence.sel $0xFFFF  }
0xc1: {  	[dreg:$0x0] =	wrdreg $0xFFFFFFFF;
	(pc) =	sbr.abs _section_cstart, $3  }
0xc2: {  	[dreg:$0x1] =	wrdreg $0xFFFFFFFF  }
0xc3: {  	_ =	task.clear_ibuf [dreg:s7], $0x2FFFF;
	_ =	strace $0x9FFFFFFF  }
0xc4: {  	(tm) =	ssettm $0x7FFFFFFF  }
0xc5: {  	_ =	shalt  }
tec
execute0_lowered:
.L_overlay_start_1:
0x0: {  	(tag) =	ssettag $0x1  }
0x1: {  	s9 =	rddreg [dreg:$0x0]  }
0x2: {  	s7 =	rddreg [dreg:$0x1]  }
0x3: {  	s1 =	srdreg.scid;
	s2 =	rddreg [dreg:$0x2]  }
0x4: {  	s0 =	stileid.u32;
	s3 =	rddreg [dreg:$0x3];
	s4 =	simm.s32 $0x0  }
0x5: {  	s15 =	simm.s32 $0x4E20;
	s17 =	simm.s32 $0x190;
	s18 =	simm.s32 $0x7530  }
0x6: {  	s19 =	simm.s32 $0x1;
	s20 =	simm.s32 $0x8E30;
	s21 =	simm.s32 $0x2  }
0x7: {  	s22 =	simm.s32 $0x3;
	s23 =	simm.s32 $0x4;
	s24 =	simm.s32 $0x73A0  }
0x8: {  	s25 =	simm.s32 $0x0;
	s6 =	sand.u32 $0x1, s1;
	s28 =	sshll.u32 s0, $0x1  }
0x9: {  	s10 =	smul.u32 $0x2710, s0;
	[smem:$0x7FF] =	sst s4;
	s30 =	sshll.u32 s0, $0x6  }
0xa: {  	s1 =	sor.u32 s6, s28;
	s8 =	smul.u32 $0x27100, s6;
	s6 =	ssub.s32 $0x2, s6  }
0xb: {  	s5 =	smul.u32 $0x2710, s1;
	s1 =	rddreg [dreg:$0x4];
	_ =	strace $0x8000004D  }
0xc: {  	s29 =	sshrl.u32 s6, $0x1;
	s14 =	sadd.s32 s10, s2;
	s31 =	sshrl.u32 s10, $0x3  }
0xd: {  	s16 =	sadd.s32 s10, s3;
	s8 =	sadd.s32 s10, s8;
	s13 =	ssub.s32 s6, s29  }
0xe: {  	s6 =	sor.u32 $0x1C05, s30;
	s9 =	sadd.s32 s9, s31;
	s5 =	sshrl.u32 s5, $0x3  }
0xf: {  	s16 =	sshrl.u32 s16, $0x3;
	s8 =	sshrl.u32 s8, $0x3;
	s11 =	sadd.s32 s5, s7  }
0x10: {  	s5 =	sadd.s32 $0x15C00, s7;
	s12 =	sadd.s32 s8, s7;
	s7 =	sadd.s32 $0x2000, s11  }
0x11: {  	s8 =	sadd.s32 $0xBC40, s11;
	s10 =	sadd.s32 $0x16200, s12;
	s11 =	smax.u32 s13, $0x1  }
0x12: {  	s12 =	sshrl.u32 s14, $0x3;
	s13 =	simm.s32 $0x5;
	s14 =	simm.s32 $0x2710  }
.LBB2_1:
0x13: {  	[spmem:s12], [sflag:s6] =	dma.local [hbm:s5], $0x4E2  }
0x14: {  	_ =	swait.ge [sflag:s13], $0x4E2  }
0x15: {  	[sflag:s13] =	ssyncset.done $0x0  }
0x16: {  	[sflag:s13] =	ssyncadd.s32 $0xFFFFFB1E  }
0x17: {  	[tilespmem:s14], [sflag:$0x5] =	stream.linear.gather [hbm4b:s7+s4], $0x2710, $0x38;
	[tilespmem:$0xCE40] =	vst v63  }
0x18: {  	_ =	swait.ge [sflag:s13], $0x2710  }
0x19: {  	[sflag:s13] =	ssyncset.done $0x0  }
0x1a: {  	[sflag:s13] =	ssyncadd.s32 $0xFFFFD8F0  }
0x1b: {  	[tilespmem:s15], [sflag:$0x5] =	stream.linear.gather [hbm4b:s8+s4], $0x2710, $0x38;
	[tilespmem:$0xCE40] =	vst v63  }
0x1c: {  	_ =	swait.ge [sflag:s13], $0x2710  }
0x1d: {  	[sflag:s13] =	ssyncset.done $0x0  }
0x1e: {  	[sflag:s13] =	ssyncadd.s32 $0xFFFFD8F0  }
0x1f: {  	[spmem:s16], [sflag:s6] =	dma.local [hbm:s9], $0x4E2  }
0x20: {  	_ =	swait.ge [sflag:s13], $0x4E2  }
0x21: {  	[sflag:s13] =	ssyncset.done $0x0  }
0x22: {  	[sflag:s13] =	ssyncadd.s32 $0xFFFFFB1E  }
0x23: {  	[bflag:$0x0] =	sbarrier.arrive $0xFFFF  }
0x24: {  	[tilespmem:s18], [sflag:$0x1] =	stream.indirect.gather [spmem:s3], $0x10, s14, s17, $0xb8;
	[tilespmem:$0xCE40] =	vst v63  }
0x25: {  	_ =	swait.ge [sflag:s19], $0x1900  }
0x26: {  	[sflag:s19] =	ssyncset.done $0x0  }
0x27: {  	s26 =	simm.s32 $0x28A0;
	[sflag:s19] =	ssyncadd.s32 $0xFFFFE700  }
0x28: {  	[tilespmem:s20], [sflag:$0x2] =	stream.indirect.gather [spmem:s3], $0x10, s26, s17, $0xb8;
	[tilespmem:$0xCE40] =	vst v63  }
0x29: {  	s29 =	simm.s32 $0x4E20  }
0x2a: {  	[spmem:s2] =	stream.indirect.scatter.add.f32 [tilespmem:s18], [sflag:$0x3], $0x10, s29, s17, $0xb8;
	[tilespmem:$0xCE40] =	vst v63  }
0x2b: {  	_ =	swait.ge [sflag:s21], $0x1900  }
0x2c: {  	[sflag:s21] =	ssyncset.done $0x0  }
0x2d: {  	s30 =	simm.s32 $0x4FB0;
	[sflag:s21] =	ssyncadd.s32 $0xFFFFE700  }
0x2e: {  	[spmem:s2] =	stream.indirect.scatter.add.f32 [tilespmem:s20], [sflag:$0x4], $0x10, s30, s17, $0xb8;
	[tilespmem:$0xCE40] =	vst v63  }
0x2f: {  	_ =	swait.ge [sflag:s22], $0x1900  }
0x30: {  	[sflag:s22] =	ssyncset.done $0x0  }
0x31: {  	s31 =	simm.s32 $0x2A30;
	[sflag:s22] =	ssyncadd.s32 $0xFFFFE700  }
0x32: {  	[tilespmem:s18], [sflag:$0x1] =	stream.indirect.gather [spmem:s3], $0x10, s31, s17, $0xb8;
	[tilespmem:$0xCE40] =	vst v63  }
0x33: {  	_ =	swait.ge [sflag:s23], $0x1900  }
0x34: {  	s26 =	simm.s32 $0xC80;
	[sflag:s23] =	ssyncset.done $0x0  }
.LBB2_2:
0x35: {  	p0 =	sne.s32 s26, $0x8980  }
0x36: {  	[sflag:s23] =	ssyncadd.s32 $0xFFFFE700;
	s28 =	smov.u32 s26;
	s26 =	sadd.s32 $0xC80, s26  }
0x37: {  	_ =	swait.ge [sflag:s19], $0x1900  }
0x38: {  	s28 =	sshra.s32 s28, $0x2;
	[sflag:s19] =	ssyncset.done $0x0  }
0x39: {  	s29 =	sadd.s32 $0x28A0, s28;
	[sflag:s19] =	ssyncadd.s32 $0xFFFFE700  }
0x3a: {  	[tilespmem:s20], [sflag:$0x2] =	stream.indirect.gather [spmem:s3], $0x10, s29, s17, $0xb8;
	[tilespmem:$0xCE40] =	vst v63  }
0x3b: {  	s29 =	sadd.s32 $0x4E20, s28  }
0x3c: {  	[spmem:s2] =	stream.indirect.scatter.add.f32 [tilespmem:s18], [sflag:$0x3], $0x10, s29, s17, $0xb8;
	[tilespmem:$0xCE40] =	vst v63  }
0x3d: {  	_ =	swait.ge [sflag:s21], $0x1900  }
0x3e: {  	[sflag:s21] =	ssyncset.done $0x0  }
0x3f: {  	s29 =	sadd.s32 $0x4FB0, s28;
	[sflag:s21] =	ssyncadd.s32 $0xFFFFE700  }
0x40: {  	[spmem:s2] =	stream.indirect.scatter.add.f32 [tilespmem:s20], [sflag:$0x4], $0x10, s29, s17, $0xb8;
	[tilespmem:$0xCE40] =	vst v63  }
0x41: {  	_ =	swait.ge [sflag:s22], $0x1900  }
.Ltmp0:
0x42: {  	[sflag:s22] =	ssyncset.done $0x0;
	(pc) =	sbr.rel @p0 .LBB2_2-.Ltmp0, $4  }
0x43: {  	s28 =	sadd.s32 $0x2A30, s28;
	[sflag:s22] =	ssyncadd.s32 $0xFFFFE700  }
0x44: {  	[tilespmem:s18], [sflag:$0x1] =	stream.indirect.gather [spmem:s3], $0x10, s28, s17, $0xb8;
	[tilespmem:$0xCE40] =	vst v63  }
0x45: {  	_ =	swait.ge [sflag:s23], $0x1900  }
0x46: {  	[sflag:s23] =	ssyncset.done $0x0  }
0x47: {  	[sflag:s23] =	ssyncadd.s32 $0xFFFFE700  }
0x48: {  	_ =	swait.ge [sflag:s19], $0x1900  }
0x49: {  	[sflag:s19] =	ssyncset.done $0x0  }
0x4a: {  	[sflag:s19] =	ssyncadd.s32 $0xFFFFE700  }
0x4b: {  	[spmem:s2] =	stream.indirect.scatter.add.f32 [tilespmem:s18], [sflag:$0x5], $0x10, s24, s17, $0xb8;
	[tilespmem:$0xCE40] =	vst v63  }
0x4c: {  	_ =	swait.ge [sflag:s13], $0x1900  }
0x4d: {  	s25 =	sadd.s32 $0x1, s25;
	[sflag:s13] =	ssyncset.done $0x0  }
0x4e: {  	p0 =	sne.s32 s25, s11;
	[sflag:s13] =	ssyncadd.s32 $0xFFFFE700  }
.Ltmp1:
0x4f: {  	[bflag:$0x0] =	sbarrier.arrive $0xFFFF;
	(pc) =	sbr.rel @p0 .LBB2_1-.Ltmp1, $4  }
0x50: {  	[hbm:s10], [sflag:s6] =	dma.local [spmem:s12], $0x4E2  }
0x51: {  	_ =	swait.ge [sflag:s13], $0x4E2  }
0x52: {  	[sflag:s13] =	ssyncset.done $0x0  }
0x53: {  	[sflag:s13] =	ssyncadd.s32 $0xFFFFFB1E  }
0x54: {  	_ =	sfence.sel $0x180000  }
0x55: {  	[bflag:$0x0] =	sbarrier.arrive $0xFFFF  }
0x56: {  	p0 =	sne.s32 s0, $0x0;
	_ =	strace $0x9000004D  }
0x57: {  	s0 =	sadd.s32 @!p0 $0x100000, s1;
	[bflag:$0x2] =	sbarrier.arrive $0xFFFF  }
0x58: {  	[sflag:s0] =	ssyncadd.tile.s32 @!p0 $0x1;
	_ =	shalt  }
.Lfunc_end2:
_tile_overlayer_lowered:
.L_overlay_start_2:
0x59: {  	(tag) =	ssettag $0x2  }
0x5a: {  	s0 =	rddreg [dreg:$0x0];
	s2 =	stileid.u32  }
0x5b: {  	s1 =	rddreg [dreg:$0x1];
	p0 =	sne.s32 s2, $0x0  }
0x5c: {  	s3 =	rddreg [dreg:$0x2];
	[bflag:$0x3] =	sbarrier.arrive $0xFFFF;
	s2 =	simm.s32 @!p0 $0x1C05  }
0x5d: {  	[timem:s3], [sflag:s2] =	dma.local @!p0 [hbm:s0], s1  }
0x5e: {  	s0 =	simm.s32 @!p0 $0x5  }
0x5f: {  	_ =	swait.ge @!p0 [sflag:s0], s1  }
0x60: {  	s1 =	ssub.s32 @!p0 $0x0, s1;
	[sflag:s0] =	ssyncset.done @!p0 $0x0  }
0x61: {  	[sflag:s0] =	ssyncadd.s32 @!p0 s1  }
0x62: {  	[bflag:$0x3] =	sbarrier.arrive $0xFFFF  }
0x63: {  	_ =	shalt  }

// kernel: kernel.8.cloned.1.call-start
scs
__scs_entry_jumppad:
0x0: {  	(pc) =	sbr.rel $0x88, $3  }
0x1: {  	(tag) =	ssettag $0x0;
	lr =	simm.s32 $0x1  }
0x2: {  	[smem:$0x3F9B] =	sst lr;
	_ =	strace $0xD0000000  }
0x3: {  	_ = 	snop  }
0x4: {  	_ = 	snop  }
0x5: {  	_ = 	snop  }
0x6: {  	_ = 	snop  }
0x7: {  	_ = 	snop  }
__scs_overlays_trampoline_lowered:
0x8: {  	[smem:$0x3FAA] =	sst s0  }
0x9: {  	[smem:$0x3FAB] =	sst s1  }
0xa: {  	[smem:$0x3FAC] =	sst s2  }
0xb: {  	[smem:$0x3FAD] =	sst s3  }
0xc: {  	[smem:$0x3FAE] =	sst s4  }
0xd: {  	[smem:$0x3FAF] =	sst s5  }
0xe: {  	[smem:$0x3FB0] =	sst s6  }
0xf: {  	[smem:$0x3FB1] =	sst s7  }
0x10: {  	[smem:$0x3FB2] =	sst s8  }
0x11: {  	[smem:$0x3FB3] =	sst s9;
	s0 =	simm.s32 @!p0 $0x0  }
0x12: {  	s1 =	sld [smem:$0x3F99];
	s0 =	simm.s32 @p0 $0x1  }
0x13: {  	[smem:$0x3FB4] =	sst s0;
	s0 =	simm.s32 @!p1 $0x0  }
0x14: {  	s2 =	sld [smem:$0x3F98];
	s0 =	simm.s32 @p1 $0x1  }
0x15: {  	[smem:$0x3FB5] =	sst s0;
	s0 =	simm.s32 @!p2 $0x0  }
0x16: {  	s3 =	sld [smem:$0x3FDB];
	s0 =	simm.s32 @p2 $0x1  }
0x17: {  	s4 =	simm.s32 $0x1BF5;
	[smem:$0x3FB7] =	sst s0  }
0x18: {  	s0 =	sld [smem:$0x3F9A];
	_ =	swait.ge [sflag:s4], $0x0  }
0x19: {  	s7 =	sld [smem:$0x3F9B]  }
0x1a: {  	s8 =	sadd.s32 $0xFFFFE003, lr  }
0x1b: {  	s9 =	sadd.s32 $0xFFFFFEF7, lr;
	s5 =	simm.s32 $0xFFFFFFFF;
	p2 =	slt.u32 s8, $0xFFFFF086  }
0x1c: {  	p1 =	slt.u32 s9, $0xF7A;
	s5 =	simm.s32 @!p2 $0x0  }
0x1d: {  	s5 =	simm.s32 @p1 $0x1;
	p0 =	seq.s32 s7, s2  }
0x1e: {  	s7 =	smul.u32 @!p0 $0xF7A, s2;
	p2 =	seq.s32 @!p0 s5, $0x0  }
0x1f: {  	s9 =	smul.u32 $0xF7A, s1;
	s8 =	simm.s32 @!p0 $0x1BF5;
	p2 =	por !p2, p0  }
0x20: {  	[sflag:s8] =	ssyncset.s32 @!p0 $0xFFFFF086;
	s6 =	sadd.s32 @!p0 s3, s7;
	s7 =	simm.s32 @!p0 $0x108  }
0x21: {  	s3 =	sadd.s32 s3, s9;
	s6 =	sadd.s32 @!p0 $0x88, s6;
	s7 =	simm.s32 @p2 $0x1082  }
0x22: {  	[simem:s7], [sflag:s8] =	dma.local @!p0 [hbm:s6], $0xF7A  }
0x23: {  	s9 =	sor.u32 $0xD0000000, s2;
	s6 =	simm.s32 $0x108;
	_ =	swait.ge @!p0 [sflag:s8], $0x0  }
0x24: {  	s3 =	sadd.s32 $0x88, s3;
	s6 =	simm.s32 @!p1 $0x1082;
	[sflag:s4] =	ssyncset.s32 $0xFFFFF086  }
0x25: {  	[simem:s6], [sflag:s4] =	dma.local [hbm:s3], $0xF7A  }
0x26: {  	[smem:$0x3F9B] =	sst s1;
	(tag) =	ssettag s2;
	_ =	strace s9  }
0x27: {  	s1 =	sld [smem:$0x3FAB]  }
0x28: {  	s2 =	sld [smem:$0x3FAC]  }
0x29: {  	s4 =	sld [smem:$0x3FAE]  }
0x2a: {  	p0 =	seq.s32 s5, $0x0;
	s5 =	sld [smem:$0x3FAF]  }
0x2b: {  	s6 =	sld [smem:$0x3FB0]  }
0x2c: {  	s7 =	sld [smem:$0x3FB1]  }
0x2d: {  	s3 =	simm.s32 $0x108;
	s8 =	sld [smem:$0x3FB2]  }
0x2e: {  	s3 =	simm.s32 @!p0 $0x1082;
	s9 =	sld [smem:$0x3FB3]  }
0x2f: {  	lr =	sadd.s32 s0, s3;
	s0 =	sld [smem:$0x3FAA]  }
0x30: {  	s3 =	sld [smem:$0x3FAD]  }
0x31: {  	[smem:$0x3FB6] =	sst s10  }
0x32: {  	s10 =	sld [smem:$0x3FB4];
	_ =	sdelay $0x3  }
0x33: {  	p0 =	seq.s32 s10, $0x1;
	s10 =	sld [smem:$0x3FB6];
	_ =	sdelay $0x3  }
0x34: {  	[smem:$0x3FB6] =	sst s10  }
0x35: {  	s10 =	sld [smem:$0x3FB5];
	_ =	sdelay $0x3  }
0x36: {  	p1 =	seq.s32 s10, $0x1;
	s10 =	sld [smem:$0x3FB6];
	_ =	sdelay $0x3  }
0x37: {  	[smem:$0x3FB6] =	sst s10  }
0x38: {  	s10 =	sld [smem:$0x3FB7]  }
0x39: {  	_ = 	snop;
	(pc) =	sbr.ind lr, $3  }
0x3a: {  	_ = 	snop  }
0x3b: {  	_ = 	snop  }
0x3c: {  	p2 =	seq.s32 s10, $0x1;
	s10 =	sld [smem:$0x3FB6]  }
0x3d: {  	_ =	shalt  }
0x3e: {  	_ =	shalt  }
0x3f: {  	_ =	shalt  }
0x40: {  	_ =	shalt  }
0x41: {  	_ =	shalt  }
0x42: {  	_ =	shalt  }
0x43: {  	_ =	shalt  }
0x44: {  	_ =	shalt  }
0x45: {  	_ =	shalt  }
0x46: {  	_ =	shalt  }
0x47: {  	_ =	shalt  }
0x48: {  	_ =	shalt  }
0x49: {  	_ =	shalt  }
0x4a: {  	_ =	shalt  }
0x4b: {  	_ =	shalt  }
0x4c: {  	_ =	shalt  }
0x4d: {  	_ =	shalt  }
0x4e: {  	_ =	shalt  }
0x4f: {  	_ =	shalt  }
0x50: {  	_ =	shalt  }
0x51: {  	_ =	shalt  }
0x52: {  	_ =	shalt  }
0x53: {  	_ =	shalt  }
0x54: {  	_ =	shalt  }
0x55: {  	_ =	shalt  }
0x56: {  	_ =	shalt  }
0x57: {  	_ =	shalt  }
0x58: {  	_ =	shalt  }
0x59: {  	_ =	shalt  }
0x5a: {  	_ =	shalt  }
0x5b: {  	_ =	shalt  }
0x5c: {  	_ =	shalt  }
0x5d: {  	_ =	shalt  }
0x5e: {  	_ =	shalt  }
0x5f: {  	_ =	shalt  }
0x60: {  	_ =	shalt  }
0x61: {  	_ =	shalt  }
0x62: {  	_ =	shalt  }
0x63: {  	_ =	shalt  }
0x64: {  	_ =	shalt  }
0x65: {  	_ =	shalt  }
0x66: {  	_ =	shalt  }
0x67: {  	_ =	shalt  }
0x68: {  	_ =	shalt  }
0x69: {  	_ =	shalt  }
0x6a: {  	_ =	shalt  }
0x6b: {  	_ =	shalt  }
0x6c: {  	_ =	shalt  }
0x6d: {  	_ =	shalt  }
0x6e: {  	_ =	shalt  }
0x6f: {  	_ =	shalt  }
0x70: {  	_ =	shalt  }
0x71: {  	_ =	shalt  }
0x72: {  	_ =	shalt  }
0x73: {  	_ =	shalt  }
0x74: {  	_ =	shalt  }
0x75: {  	_ =	shalt  }
0x76: {  	_ =	shalt  }
0x77: {  	_ =	shalt  }
0x78: {  	_ =	shalt  }
0x79: {  	_ =	shalt  }
0x7a: {  	_ =	shalt  }
0x7b: {  	_ =	shalt  }
0x7c: {  	_ =	shalt  }
0x7d: {  	_ =	shalt  }
0x7e: {  	_ =	shalt  }
0x7f: {  	_ =	shalt  }
0x80: {  	_ =	shalt  }
0x81: {  	_ =	shalt  }
0x82: {  	_ =	shalt  }
0x83: {  	_ =	shalt  }
0x84: {  	_ =	shalt  }
0x85: {  	_ =	shalt  }
0x86: {  	_ =	shalt  }
0x87: {  	_ =	shalt  }
.Lfunc_end0:
.L_simem_size_0:
called_computation_lowered:
.L_overlay_start_0:
0x88: {  	s2 =	sld [smem:$0x3FD9]  }
0x89: {  	s3 =	sld [smem:$0x3FFE];
	_ =	sdelay $0x1  }
0x8a: {  	s1 =	srdreg.scid  }
0x8b: {  	s0 =	sand.u32 $0x1, s1  }
0x8c: {  	s17 =	sshll.u32 s0, $0xA;
	s2 =	sadd.s32 s3, s2  }
0x8d: {  	s2 =	sadd.s32 s2, s17  }
0x8e: {  	[smem:$0x3FC2] =	sst s2  }
0x8f: {  	_ = 	snop  }
0x90: {  	s2 =	sld [smem:$0x3FD0];
	(tm) =	ssettm $0x1  }
0x91: {  	s18 =	sld [smem:$0x3FFB];
	_ =	sdelay $0x3  }
0x92: {  	_ =	strace s18  }
0x93: {  	s3 =	sld [smem:$0x3FFC];
	_ =	sdelay $0x3  }
0x94: {  	_ =	strace s3  }
0x95: {  	s3 =	sld [smem:$0x3FFD];
	_ =	sdelay $0x3  }
0x96: {  	_ =	strace s3  }
0x97: {  	_ =	strace $0x8FFFFFFF  }
0x98: {  	s19 =	sld [smem:$0x3FDB];
	_ =	sdelay $0x1  }
0x99: {  	s4 =	simm.s32 $_scs_section_size  }
0x9a: {  	s5 =	simm.s32 $_size__tile_overlayer_lowered;
	s6 =	simm.s32 $_tile_overlayer_lowered  }
0x9b: {  	s22 =	simm.s32 $0x1BFF;
	s21 =	sshll.u32 s6, $0x1;
	s3 =	sadd.s32 s4, s19  }
0x9c: {  	s7 =	simm.s32 $0x0;
	s20 =	sshll.u32 s5, $0x1;
	s5 =	sadd.s32 s21, s3  }
0x9d: {  	[timem:s7], [sflag:s22] =	dma.local [hbm:s5], s20  }
0x9e: {  	_ =	swait.ge [sflag:s22], s20  }
0x9f: {  	s4 =	ssub.s32 $0x0, s20;
	[sflag:s22] =	ssyncset.done $0x0  }
0xa0: {  	[sflag:s22] =	ssyncadd.s32 s4;
	_ =	sdelay $0x1  }
0xa1: {  	s23 =	simm.s32 $0x1B8B  }
0xa2: {  	_ =	swait.ge [sflag:s23], $0x1  }
0xa3: {  	[sflag:s23] =	ssyncset.done $0x0  }
0xa4: {  	s25 =	simm.s32 $0x1B8E;
	s24 =	sld [smem:$0x3FFE];
	[sflag:s23] =	ssyncadd.s32 $0xFFFFFFFF  }
0xa5: {  	s26 =	simm.s32 $execute0_lowered;
	[smem:$0x3FD2] =	sst s25  }
0xa6: {  	s5 =	sshll.u32 s26, $0x1;
	_ =	strace $0x80000046;
	[dreg:$0x1] =	wrdreg $0xFFFFFFFF  }
0xa7: {  	s28 =	simm.s32 $_size_execute0_lowered;
	s3 =	sadd.s32 s3, s5;
	[dreg:$0x0] =	wrdreg $0x0  }
0xa8: {  	s5 =	sshll.u32 s28, $0x1;
	[dreg:$0x2] =	wrdreg s3  }
0xa9: {  	[dreg:$0x3] =	wrdreg s5  }
0xaa: {  	[dreg:$0x4] =	wrdreg $0xC0  }
0xab: {  	_ =	task [dreg:s7], $0x5FFFF  }
0xac: {  	[dreg:$0x1] =	wrdreg $0xFFFFFFFF  }
0xad: {  	[dreg:$0x0] =	wrdreg $0x60  }
0xae: {  	[dreg:$0x2] =	wrdreg s24  }
0xaf: {  	[dreg:$0x3] =	wrdreg s2  }
0xb0: {  	[dreg:$0x4] =	wrdreg $0x0  }
0xb1: {  	[dreg:$0x5] =	wrdreg $0x9  }
0xb2: {  	_ =	task.clear_ibuf [dreg:s7], $0x6FFFF;
	_ =	strace $0x90000046  }
0xb3: {  	s29 =	simm.s32 $0x9;
	_ =	strace $0x80000048  }
0xb4: {  	_ =	swait.ge [sflag:s29], $0x1  }
0xb5: {  	[sflag:s29] =	ssyncadd.s32 $0xFFFFFFFF  }
0xb6: {  	_ =	strace $0x90000048  }
0xb7: {  	_ =	sfence  }
0xb8: {  	s30 =	sld [smem:$0x0];
	_ =	sdelay $0x2  }
0xb9: {  	s31 =	sshll.u32 s1, $0xD;
	s1 =	sshrl.u32 s1, $0x2  }
0xba: {  	s3 =	sand.u32 $0x4000, s31;
	s1 =	sadd.s32 s1, s30  }
0xbb: {  	s0 =	sor.u32 s3, s0;
	s1 =	sshll.u32 s1, $0x11  }
0xbc: {  	s0 =	sor.u32 s1, s0  }
0xbd: {  	s0 =	sadd.s32 $0x8F2B, s0  }
0xbe: {  	[sflag:s0] =	ssyncadd.remote.s32 $0x1  }
0xbf: {  	_ =	sfence.sel $0xFFFF  }
0xc0: {  	[dreg:$0x0] =	wrdreg $0xFFFFFFFF;
	(pc) =	sbr.abs _section_cstart, $3  }
0xc1: {  	[dreg:$0x1] =	wrdreg $0xFFFFFFFF  }
0xc2: {  	_ =	task.clear_ibuf [dreg:s7], $0x2FFFF;
	_ =	strace $0x9FFFFFFF  }
0xc3: {  	(tm) =	ssettm $0x7FFFFFFF  }
tec
execute0_lowered:
.L_overlay_start_1:
0x0: {  	(tag) =	ssettag $0x1  }
0x1: {  	s3 =	rddreg [dreg:$0x0]  }
0x2: {  	s4 =	rddreg [dreg:$0x1]  }
0x3: {  	s0 =	srdreg.scid;
	s1 =	rddreg [dreg:$0x2];
	s2 =	simm.s32 $0x0  }
0x4: {  	s5 =	stileid.u32;
	[smem:$0x7FF] =	sst s2;
	s7 =	sadd.s32 $0x15A00, s3  }
0x5: {  	s14 =	sadd.s32 $0x15C00, s3;
	_ =	strace $0x80000047;
	[dreg:$0x4] =	wrdreg s7  }
0x6: {  	s17 =	simm.s32 $0x408;
	s18 =	simm.s32 $0x598;
	[dreg:$0x5] =	wrdreg s14  }
0x7: {  	s19 =	simm.s32 $0x728;
	s20 =	simm.s32 $0x8B8;
	[dreg:$0x8] =	wrdreg s17  }
0x8: {  	s31 =	sand.u32 $0x1, s0;
	s6 =	sshll.u32 s5, $0x1;
	[dreg:$0x9] =	wrdreg s18  }
0x9: {  	s6 =	sor.u32 s31, s6;
	s15 =	smul.u32 $0x4E2, s31;
	[dreg:$0xa] =	wrdreg s19  }
0xa: {  	s21 =	simm.s32 $0xA48;
	[dreg:$0xb] =	wrdreg s20;
	s6 =	smul.u32 $0x2710, s6  }
0xb: {  	s22 =	simm.s32 $0xBD8;
	[dreg:$0xc] =	wrdreg s21  }
0xc: {  	[dreg:$0xd] =	wrdreg s22;
	s16 =	sadd.s32 s4, s15;
	s6 =	sshrl.u32 s6, $0x3  }
0xd: {  	p0 =	sne.s32 s5, $0x0;
	[dreg:$0x7] =	wrdreg s16;
	s3 =	sadd.s32 s3, s6  }
0xe: {  	s5 =	simm.s32 @!p0 $0x1C03;
	s6 =	rddreg [dreg:$0x5];
	s3 =	sadd.s32 $0xBC40, s3  }
0xf: {  	s4 =	sshrl.u32 @!p0 s1, $0x3;
	[dreg:$0x6] =	wrdreg s3;
	s3 =	simm.s32 @!p0 $0x3  }
0x10: {  	[spmem:s4], [sflag:s5] =	dma.local @!p0 [hbm:s6], $0x4E2  }
0x11: {  	_ =	swait.ge @!p0 [sflag:s3], $0x4E2  }
0x12: {  	s7 =	simm.s32 $0x3;
	[sflag:s3] =	ssyncset.done @!p0 $0x0  }
0x13: {  	s6 =	simm.s32 $0x2988;
	s8 =	rddreg [dreg:$0x4];
	[sflag:s3] =	ssyncadd.s32 @!p0 $0xFFFFFB1E  }
0x14: {  	[tilespmem:s6], [sflag:$0x3] =	stream.linear.gather [hbm4b:s8+s2], $0x190, $0x38;
	[tilespmem:$0x2B18] =	vst v63  }
0x15: {  	_ =	swait.ge [sflag:s7], $0x190  }
0x16: {  	[sflag:s7] =	ssyncset.done $0x0  }
0x17: {  	s8 =	simm.s32 $0x278;
	s9 =	rddreg [dreg:$0x6];
	[sflag:s7] =	ssyncadd.s32 $0xFFFFFE70  }
0x18: {  	[tilespmem:s8], [sflag:$0x3] =	stream.linear.gather [hbm4b:s9+s2], $0x2710, $0x38;
	[tilespmem:$0x2B18] =	vst v63  }
0x19: {  	_ =	swait.ge [sflag:s7], $0x2710  }
0x1a: {  	[sflag:s7] =	ssyncset.done $0x0  }
0x1b: {  	[sflag:s7] =	ssyncadd.s32 $0xFFFFD8F0  }
0x1c: {  	s9 =	simm.s32 $0x190;
	[bflag:$0x0] =	sbarrier.arrive $0xFFFF  }
0x1d: {  	[spmem:s1] =	stream.indirect.scatter.add.f32 [tilespmem:s6], [sflag:$0x1], $0x1, s8, s9, $0xb8;
	[tilespmem:$0x2B18] =	vst v63  }
0x1e: {  	s10 =	simm.s32 $0x1;
	s11 =	rddreg [dreg:$0x8]  }
0x1f: {  	[spmem:s1] =	stream.indirect.scatter.add.f32 [tilespmem:s6], [sflag:$0x2], $0x1, s11, s9, $0xb8;
	[tilespmem:$0x2B18] =	vst v63  }
0x20: {  	_ =	swait.ge [sflag:s10], $0x190  }
0x21: {  	[sflag:s10] =	ssyncset.done $0x0  }
0x22: {  	s11 =	simm.s32 $0x2;
	s12 =	rddreg [dreg:$0x9];
	[sflag:s10] =	ssyncadd.s32 $0xFFFFFE70  }
0x23: {  	[spmem:s1] =	stream.indirect.scatter.add.f32 [tilespmem:s6], [sflag:$0x1], $0x1, s12, s9, $0xb8;
	[tilespmem:$0x2B18] =	vst v63  }
0x24: {  	_ =	swait.ge [sflag:s11], $0x190  }
0x25: {  	[sflag:s11] =	ssyncset.done $0x0  }
0x26: {  	s23 =	rddreg [dreg:$0xa];
	[sflag:s11] =	ssyncadd.s32 $0xFFFFFE70  }
0x27: {  	[spmem:s1] =	stream.indirect.scatter.add.f32 [tilespmem:s6], [sflag:$0x2], $0x1, s23, s9, $0xb8;
	[tilespmem:$0x2B18] =	vst v63  }
0x28: {  	_ =	swait.ge [sflag:s10], $0x190  }
0x29: {  	[sflag:s10] =	ssyncset.done $0x0  }
0x2a: {  	s24 =	rddreg [dreg:$0xb];
	[sflag:s10] =	ssyncadd.s32 $0xFFFFFE70  }
0x2b: {  	[spmem:s1] =	stream.indirect.scatter.add.f32 [tilespmem:s6], [sflag:$0x1], $0x1, s24, s9, $0xb8;
	[tilespmem:$0x2B18] =	vst v63  }
0x2c: {  	_ =	swait.ge [sflag:s11], $0x190  }
0x2d: {  	[sflag:s11] =	ssyncset.done $0x0  }
0x2e: {  	s25 =	rddreg [dreg:$0xc];
	[sflag:s11] =	ssyncadd.s32 $0xFFFFFE70  }
0x2f: {  	[spmem:s1] =	stream.indirect.scatter.add.f32 [tilespmem:s6], [sflag:$0x2], $0x1, s25, s9, $0xb8;
	[tilespmem:$0x2B18] =	vst v63  }
0x30: {  	_ =	swait.ge [sflag:s10], $0x190  }
0x31: {  	[sflag:s10] =	ssyncset.done $0x0  }
0x32: {  	s26 =	rddreg [dreg:$0xd];
	[sflag:s10] =	ssyncadd.s32 $0xFFFFFE70  }
0x33: {  	[spmem:s1] =	stream.indirect.scatter.add.f32 [tilespmem:s6], [sflag:$0x1], $0x1, s26, s9, $0xb8;
	[tilespmem:$0x2B18] =	vst v63  }
0x34: {  	_ =	swait.ge [sflag:s11], $0x190  }
0x35: {  	[sflag:s11] =	ssyncset.done $0x0  }
0x36: {  	s12 =	simm.s32 $0xD68;
	[sflag:s11] =	ssyncadd.s32 $0xFFFFFE70  }
0x37: {  	[spmem:s1] =	stream.indirect.scatter.add.f32 [tilespmem:s6], [sflag:$0x2], $0x1, s12, s9, $0xb8;
	[tilespmem:$0x2B18] =	vst v63  }
0x38: {  	_ =	swait.ge [sflag:s10], $0x190  }
0x39: {  	[sflag:s10] =	ssyncset.done $0x0  }
0x3a: {  	s13 =	simm.s32 $0xEF8;
	[sflag:s10] =	ssyncadd.s32 $0xFFFFFE70  }
0x3b: {  	[spmem:s1] =	stream.indirect.scatter.add.f32 [tilespmem:s6], [sflag:$0x1], $0x1, s13, s9, $0xb8;
	[tilespmem:$0x2B18] =	vst v63  }
0x3c: {  	_ =	swait.ge [sflag:s11], $0x190  }
0x3d: {  	[sflag:s11] =	ssyncset.done $0x0  }
0x3e: {  	s14 =	simm.s32 $0x1088;
	[sflag:s11] =	ssyncadd.s32 $0xFFFFFE70  }
0x3f: {  	[spmem:s1] =	stream.indirect.scatter.add.f32 [tilespmem:s6], [sflag:$0x2], $0x1, s14, s9, $0xb8;
	[tilespmem:$0x2B18] =	vst v63  }
0x40: {  	_ =	swait.ge [sflag:s10], $0x190  }
0x41: {  	[sflag:s10] =	ssyncset.done $0x0  }
0x42: {  	s15 =	simm.s32 $0x1218;
	[sflag:s10] =	ssyncadd.s32 $0xFFFFFE70  }
0x43: {  	[spmem:s1] =	stream.indirect.scatter.add.f32 [tilespmem:s6], [sflag:$0x1], $0x1, s15, s9, $0xb8;
	[tilespmem:$0x2B18] =	vst v63  }
0x44: {  	_ =	swait.ge [sflag:s11], $0x190  }
0x45: {  	[sflag:s11] =	ssyncset.done $0x0  }
0x46: {  	s16 =	simm.s32 $0x13A8;
	[sflag:s11] =	ssyncadd.s32 $0xFFFFFE70  }
0x47: {  	[spmem:s1] =	stream.indirect.scatter.add.f32 [tilespmem:s6], [sflag:$0x2], $0x1, s16, s9, $0xb8;
	[tilespmem:$0x2B18] =	vst v63  }
0x48: {  	_ =	swait.ge [sflag:s10], $0x190  }
0x49: {  	[sflag:s10] =	ssyncset.done $0x0  }
0x4a: {  	s17 =	simm.s32 $0x1538;
	[sflag:s10] =	ssyncadd.s32 $0xFFFFFE70  }
0x4b: {  	[spmem:s1] =	stream.indirect.scatter.add.f32 [tilespmem:s6], [sflag:$0x1], $0x1, s17, s9, $0xb8;
	[tilespmem:$0x2B18] =	vst v63  }
0x4c: {  	_ =	swait.ge [sflag:s11], $0x190  }
0x4d: {  	[sflag:s11] =	ssyncset.done $0x0  }
0x4e: {  	s18 =	simm.s32 $0x16C8;
	[sflag:s11] =	ssyncadd.s32 $0xFFFFFE70  }
0x4f: {  	[spmem:s1] =	stream.indirect.scatter.add.f32 [tilespmem:s6], [sflag:$0x2], $0x1, s18, s9, $0xb8;
	[tilespmem:$0x2B18] =	vst v63  }
0x50: {  	_ =	swait.ge [sflag:s10], $0x190  }
0x51: {  	[sflag:s10] =	ssyncset.done $0x0  }
0x52: {  	s19 =	simm.s32 $0x1858;
	[sflag:s10] =	ssyncadd.s32 $0xFFFFFE70  }
0x53: {  	[spmem:s1] =	stream.indirect.scatter.add.f32 [tilespmem:s6], [sflag:$0x1], $0x1, s19, s9, $0xb8;
	[tilespmem:$0x2B18] =	vst v63  }
0x54: {  	_ =	swait.ge [sflag:s11], $0x190  }
0x55: {  	[sflag:s11] =	ssyncset.done $0x0  }
0x56: {  	s20 =	simm.s32 $0x19E8;
	[sflag:s11] =	ssyncadd.s32 $0xFFFFFE70  }
0x57: {  	[spmem:s1] =	stream.indirect.scatter.add.f32 [tilespmem:s6], [sflag:$0x2], $0x1, s20, s9, $0xb8;
	[tilespmem:$0x2B18] =	vst v63  }
0x58: {  	_ =	swait.ge [sflag:s10], $0x190  }
0x59: {  	[sflag:s10] =	ssyncset.done $0x0  }
0x5a: {  	s21 =	simm.s32 $0x1B78;
	[sflag:s10] =	ssyncadd.s32 $0xFFFFFE70  }
0x5b: {  	[spmem:s1] =	stream.indirect.scatter.add.f32 [tilespmem:s6], [sflag:$0x1], $0x1, s21, s9, $0xb8;
	[tilespmem:$0x2B18] =	vst v63  }
0x5c: {  	_ =	swait.ge [sflag:s11], $0x190  }
0x5d: {  	[sflag:s11] =	ssyncset.done $0x0  }
0x5e: {  	s22 =	simm.s32 $0x1D08;
	[sflag:s11] =	ssyncadd.s32 $0xFFFFFE70  }
0x5f: {  	[spmem:s1] =	stream.indirect.scatter.add.f32 [tilespmem:s6], [sflag:$0x2], $0x1, s22, s9, $0xb8;
	[tilespmem:$0x2B18] =	vst v63  }
0x60: {  	_ =	swait.ge [sflag:s10], $0x190  }
0x61: {  	[sflag:s10] =	ssyncset.done $0x0  }
0x62: {  	s23 =	simm.s32 $0x1E98;
	[sflag:s10] =	ssyncadd.s32 $0xFFFFFE70  }
0x63: {  	[spmem:s1] =	stream.indirect.scatter.add.f32 [tilespmem:s6], [sflag:$0x1], $0x1, s23, s9, $0xb8;
	[tilespmem:$0x2B18] =	vst v63  }
0x64: {  	_ =	swait.ge [sflag:s11], $0x190  }
0x65: {  	[sflag:s11] =	ssyncset.done $0x0  }
0x66: {  	s24 =	simm.s32 $0x2028;
	[sflag:s11] =	ssyncadd.s32 $0xFFFFFE70  }
0x67: {  	[spmem:s1] =	stream.indirect.scatter.add.f32 [tilespmem:s6], [sflag:$0x2], $0x1, s24, s9, $0xb8;
	[tilespmem:$0x2B18] =	vst v63  }
0x68: {  	_ =	swait.ge [sflag:s10], $0x190  }
0x69: {  	[sflag:s10] =	ssyncset.done $0x0  }
0x6a: {  	s25 =	simm.s32 $0x21B8;
	[sflag:s10] =	ssyncadd.s32 $0xFFFFFE70  }
0x6b: {  	[spmem:s1] =	stream.indirect.scatter.add.f32 [tilespmem:s6], [sflag:$0x1], $0x1, s25, s9, $0xb8;
	[tilespmem:$0x2B18] =	vst v63  }
0x6c: {  	_ =	swait.ge [sflag:s11], $0x190  }
0x6d: {  	[sflag:s11] =	ssyncset.done $0x0  }
0x6e: {  	s26 =	simm.s32 $0x2348;
	[sflag:s11] =	ssyncadd.s32 $0xFFFFFE70  }
0x6f: {  	[spmem:s1] =	stream.indirect.scatter.add.f32 [tilespmem:s6], [sflag:$0x2], $0x1, s26, s9, $0xb8;
	[tilespmem:$0x2B18] =	vst v63  }
0x70: {  	_ =	swait.ge [sflag:s10], $0x190  }
0x71: {  	[sflag:s10] =	ssyncset.done $0x0  }
0x72: {  	s28 =	simm.s32 $0x24D8;
	[sflag:s10] =	ssyncadd.s32 $0xFFFFFE70  }
0x73: {  	[spmem:s1] =	stream.indirect.scatter.add.f32 [tilespmem:s6], [sflag:$0x1], $0x1, s28, s9, $0xb8;
	[tilespmem:$0x2B18] =	vst v63  }
0x74: {  	_ =	swait.ge [sflag:s11], $0x190  }
0x75: {  	[sflag:s11] =	ssyncset.done $0x0  }
0x76: {  	s29 =	simm.s32 $0x2668;
	[sflag:s11] =	ssyncadd.s32 $0xFFFFFE70  }
0x77: {  	[spmem:s1] =	stream.indirect.scatter.add.f32 [tilespmem:s6], [sflag:$0x2], $0x1, s29, s9, $0xb8;
	[tilespmem:$0x2B18] =	vst v63  }
0x78: {  	_ =	swait.ge [sflag:s10], $0x190  }
0x79: {  	[sflag:s10] =	ssyncset.done $0x0  }
0x7a: {  	s30 =	simm.s32 $0x27F8;
	[sflag:s10] =	ssyncadd.s32 $0xFFFFFE70  }
0x7b: {  	[spmem:s1] =	stream.indirect.scatter.add.f32 [tilespmem:s6], [sflag:$0x1], $0x1, s30, s9, $0xb8;
	[tilespmem:$0x2B18] =	vst v63  }
0x7c: {  	_ =	swait.ge [sflag:s11], $0x190  }
0x7d: {  	[sflag:s11] =	ssyncset.done $0x0  }
0x7e: {  	[sflag:s11] =	ssyncadd.s32 $0xFFFFFE70  }
0x7f: {  	_ =	swait.ge [sflag:s10], $0x190  }
0x80: {  	[sflag:s10] =	ssyncset.done $0x0  }
0x81: {  	[sflag:s10] =	ssyncadd.s32 $0xFFFFFE70  }
0x82: {  	[bflag:$0x0] =	sbarrier.arrive $0xFFFF  }
0x83: {  	s31 =	ssub.s32 $0x2, s31;
	s0 =	rddreg [dreg:$0x7]  }
0x84: {  	[dreg:$0xe] =	wrdreg s0;
	s0 =	sshrl.u32 s31, $0x1  }
0x85: {  	s0 =	ssub.s32 s31, s0;
	s31 =	rddreg [dreg:$0xe]  }
0x86: {  	[hbm:s31], [sflag:s5] =	dma.local @!p0 [spmem:s4], $0x4E2  }
0x87: {  	s0 =	smax.u32 s0, $0x1  }
0x88: {  	s31 =	sadd.s32 $0xFFFFFFFF, s0  }
0x89: {  	p1 =	sne.s32 s31, $0x0  }
.Ltmp0:
0x8a: {  	_ = 	snop;
	(pc) =	sbr.rel @!p1 .LBB2_2-.Ltmp0, $2  }
0x8b: {  	_ =	sdelay $0x2  }
0x8c: {  	_ =	swait.ge @!p0 [sflag:s3], $0x4E2  }
.LBB2_1:
0x8d: {  	[sflag:s3] =	ssyncset.done @!p0 $0x0  }
0x8e: {  	s0 =	rddreg [dreg:$0x5];
	[sflag:s3] =	ssyncadd.s32 @!p0 $0xFFFFFB1E  }
0x8f: {  	[spmem:s4], [sflag:s5] =	dma.local @!p0 [hbm:s0], $0x4E2  }
0x90: {  	_ =	swait.ge @!p0 [sflag:s3], $0x4E2  }
0x91: {  	[sflag:s3] =	ssyncset.done @!p0 $0x0  }
0x92: {  	s0 =	rddreg [dreg:$0x4];
	[sflag:s3] =	ssyncadd.s32 @!p0 $0xFFFFFB1E  }
0x93: {  	[tilespmem:s6], [sflag:$0x3] =	stream.linear.gather [hbm4b:s0+s2], $0x190, $0x38;
	[tilespmem:$0x2B18] =	vst v63  }
0x94: {  	_ =	swait.ge [sflag:s7], $0x190  }
0x95: {  	[sflag:s7] =	ssyncset.done $0x0  }
0x96: {  	s0 =	rddreg [dreg:$0x6];
	[sflag:s7] =	ssyncadd.s32 $0xFFFFFE70  }
0x97: {  	[tilespmem:s8], [sflag:$0x3] =	stream.linear.gather [hbm4b:s0+s2], $0x2710, $0x38;
	[tilespmem:$0x2B18] =	vst v63  }
0x98: {  	_ =	swait.ge [sflag:s7], $0x2710  }
0x99: {  	[sflag:s7] =	ssyncset.done $0x0  }
0x9a: {  	[sflag:s7] =	ssyncadd.s32 $0xFFFFD8F0  }
0x9b: {  	[bflag:$0x0] =	sbarrier.arrive $0xFFFF  }
0x9c: {  	[spmem:s1] =	stream.indirect.scatter.add.f32 [tilespmem:s6], [sflag:$0x1], $0x1, s8, s9, $0xb8;
	[tilespmem:$0x2B18] =	vst v63  }
0x9d: {  	s0 =	rddreg [dreg:$0x8]  }
0x9e: {  	[spmem:s1] =	stream.indirect.scatter.add.f32 [tilespmem:s6], [sflag:$0x2], $0x1, s0, s9, $0xb8;
	[tilespmem:$0x2B18] =	vst v63  }
0x9f: {  	_ =	swait.ge [sflag:s10], $0x190  }
0xa0: {  	[sflag:s10] =	ssyncset.done $0x0  }
0xa1: {  	s0 =	rddreg [dreg:$0x9];
	[sflag:s10] =	ssyncadd.s32 $0xFFFFFE70  }
0xa2: {  	[spmem:s1] =	stream.indirect.scatter.add.f32 [tilespmem:s6], [sflag:$0x1], $0x1, s0, s9, $0xb8;
	[tilespmem:$0x2B18] =	vst v63  }
0xa3: {  	_ =	swait.ge [sflag:s11], $0x190  }
0xa4: {  	[sflag:s11] =	ssyncset.done $0x0  }
0xa5: {  	s0 =	rddreg [dreg:$0xa];
	[sflag:s11] =	ssyncadd.s32 $0xFFFFFE70  }
0xa6: {  	[spmem:s1] =	stream.indirect.scatter.add.f32 [tilespmem:s6], [sflag:$0x2], $0x1, s0, s9, $0xb8;
	[tilespmem:$0x2B18] =	vst v63  }
0xa7: {  	_ =	swait.ge [sflag:s10], $0x190  }
0xa8: {  	[sflag:s10] =	ssyncset.done $0x0  }
0xa9: {  	s0 =	rddreg [dreg:$0xb];
	[sflag:s10] =	ssyncadd.s32 $0xFFFFFE70  }
0xaa: {  	[spmem:s1] =	stream.indirect.scatter.add.f32 [tilespmem:s6], [sflag:$0x1], $0x1, s0, s9, $0xb8;
	[tilespmem:$0x2B18] =	vst v63  }
0xab: {  	_ =	swait.ge [sflag:s11], $0x190  }
0xac: {  	[sflag:s11] =	ssyncset.done $0x0  }
0xad: {  	s0 =	rddreg [dreg:$0xc];
	[sflag:s11] =	ssyncadd.s32 $0xFFFFFE70  }
0xae: {  	[spmem:s1] =	stream.indirect.scatter.add.f32 [tilespmem:s6], [sflag:$0x2], $0x1, s0, s9, $0xb8;
	[tilespmem:$0x2B18] =	vst v63  }
0xaf: {  	_ =	swait.ge [sflag:s10], $0x190  }
0xb0: {  	[sflag:s10] =	ssyncset.done $0x0  }
0xb1: {  	s0 =	rddreg [dreg:$0xd];
	[sflag:s10] =	ssyncadd.s32 $0xFFFFFE70  }
0xb2: {  	[spmem:s1] =	stream.indirect.scatter.add.f32 [tilespmem:s6], [sflag:$0x1], $0x1, s0, s9, $0xb8;
	[tilespmem:$0x2B18] =	vst v63  }
0xb3: {  	_ =	swait.ge [sflag:s11], $0x190  }
0xb4: {  	[sflag:s11] =	ssyncset.done $0x0  }
0xb5: {  	[sflag:s11] =	ssyncadd.s32 $0xFFFFFE70  }
0xb6: {  	[spmem:s1] =	stream.indirect.scatter.add.f32 [tilespmem:s6], [sflag:$0x2], $0x1, s12, s9, $0xb8;
	[tilespmem:$0x2B18] =	vst v63  }
0xb7: {  	_ =	swait.ge [sflag:s10], $0x190  }
0xb8: {  	[sflag:s10] =	ssyncset.done $0x0  }
0xb9: {  	[sflag:s10] =	ssyncadd.s32 $0xFFFFFE70  }
0xba: {  	[spmem:s1] =	stream.indirect.scatter.add.f32 [tilespmem:s6], [sflag:$0x1], $0x1, s13, s9, $0xb8;
	[tilespmem:$0x2B18] =	vst v63  }
0xbb: {  	_ =	swait.ge [sflag:s11], $0x190  }
0xbc: {  	[sflag:s11] =	ssyncset.done $0x0  }
0xbd: {  	[sflag:s11] =	ssyncadd.s32 $0xFFFFFE70  }
0xbe: {  	[spmem:s1] =	stream.indirect.scatter.add.f32 [tilespmem:s6], [sflag:$0x2], $0x1, s14, s9, $0xb8;
	[tilespmem:$0x2B18] =	vst v63  }
0xbf: {  	_ =	swait.ge [sflag:s10], $0x190  }
0xc0: {  	[sflag:s10] =	ssyncset.done $0x0  }
0xc1: {  	[sflag:s10] =	ssyncadd.s32 $0xFFFFFE70  }
0xc2: {  	[spmem:s1] =	stream.indirect.scatter.add.f32 [tilespmem:s6], [sflag:$0x1], $0x1, s15, s9, $0xb8;
	[tilespmem:$0x2B18] =	vst v63  }
0xc3: {  	_ =	swait.ge [sflag:s11], $0x190  }
0xc4: {  	[sflag:s11] =	ssyncset.done $0x0  }
0xc5: {  	[sflag:s11] =	ssyncadd.s32 $0xFFFFFE70  }
0xc6: {  	[spmem:s1] =	stream.indirect.scatter.add.f32 [tilespmem:s6], [sflag:$0x2], $0x1, s16, s9, $0xb8;
	[tilespmem:$0x2B18] =	vst v63  }
0xc7: {  	_ =	swait.ge [sflag:s10], $0x190  }
0xc8: {  	[sflag:s10] =	ssyncset.done $0x0  }
0xc9: {  	[sflag:s10] =	ssyncadd.s32 $0xFFFFFE70  }
0xca: {  	[spmem:s1] =	stream.indirect.scatter.add.f32 [tilespmem:s6], [sflag:$0x1], $0x1, s17, s9, $0xb8;
	[tilespmem:$0x2B18] =	vst v63  }
0xcb: {  	_ =	swait.ge [sflag:s11], $0x190  }
0xcc: {  	[sflag:s11] =	ssyncset.done $0x0  }
0xcd: {  	[sflag:s11] =	ssyncadd.s32 $0xFFFFFE70  }
0xce: {  	[spmem:s1] =	stream.indirect.scatter.add.f32 [tilespmem:s6], [sflag:$0x2], $0x1, s18, s9, $0xb8;
	[tilespmem:$0x2B18] =	vst v63  }
0xcf: {  	_ =	swait.ge [sflag:s10], $0x190  }
0xd0: {  	[sflag:s10] =	ssyncset.done $0x0  }
0xd1: {  	[sflag:s10] =	ssyncadd.s32 $0xFFFFFE70  }
0xd2: {  	[spmem:s1] =	stream.indirect.scatter.add.f32 [tilespmem:s6], [sflag:$0x1], $0x1, s19, s9, $0xb8;
	[tilespmem:$0x2B18] =	vst v63  }
0xd3: {  	_ =	swait.ge [sflag:s11], $0x190  }
0xd4: {  	[sflag:s11] =	ssyncset.done $0x0  }
0xd5: {  	[sflag:s11] =	ssyncadd.s32 $0xFFFFFE70  }
0xd6: {  	[spmem:s1] =	stream.indirect.scatter.add.f32 [tilespmem:s6], [sflag:$0x2], $0x1, s20, s9, $0xb8;
	[tilespmem:$0x2B18] =	vst v63  }
0xd7: {  	_ =	swait.ge [sflag:s10], $0x190  }
0xd8: {  	[sflag:s10] =	ssyncset.done $0x0  }
0xd9: {  	[sflag:s10] =	ssyncadd.s32 $0xFFFFFE70  }
0xda: {  	[spmem:s1] =	stream.indirect.scatter.add.f32 [tilespmem:s6], [sflag:$0x1], $0x1, s21, s9, $0xb8;
	[tilespmem:$0x2B18] =	vst v63  }
0xdb: {  	_ =	swait.ge [sflag:s11], $0x190  }
0xdc: {  	[sflag:s11] =	ssyncset.done $0x0  }
0xdd: {  	[sflag:s11] =	ssyncadd.s32 $0xFFFFFE70  }
0xde: {  	[spmem:s1] =	stream.indirect.scatter.add.f32 [tilespmem:s6], [sflag:$0x2], $0x1, s22, s9, $0xb8;
	[tilespmem:$0x2B18] =	vst v63  }
0xdf: {  	_ =	swait.ge [sflag:s10], $0x190  }
0xe0: {  	[sflag:s10] =	ssyncset.done $0x0  }
0xe1: {  	[sflag:s10] =	ssyncadd.s32 $0xFFFFFE70  }
0xe2: {  	[spmem:s1] =	stream.indirect.scatter.add.f32 [tilespmem:s6], [sflag:$0x1], $0x1, s23, s9, $0xb8;
	[tilespmem:$0x2B18] =	vst v63  }
0xe3: {  	_ =	swait.ge [sflag:s11], $0x190  }
0xe4: {  	[sflag:s11] =	ssyncset.done $0x0  }
0xe5: {  	[sflag:s11] =	ssyncadd.s32 $0xFFFFFE70  }
0xe6: {  	[spmem:s1] =	stream.indirect.scatter.add.f32 [tilespmem:s6], [sflag:$0x2], $0x1, s24, s9, $0xb8;
	[tilespmem:$0x2B18] =	vst v63  }
0xe7: {  	_ =	swait.ge [sflag:s10], $0x190  }
0xe8: {  	[sflag:s10] =	ssyncset.done $0x0  }
0xe9: {  	[sflag:s10] =	ssyncadd.s32 $0xFFFFFE70  }
0xea: {  	[spmem:s1] =	stream.indirect.scatter.add.f32 [tilespmem:s6], [sflag:$0x1], $0x1, s25, s9, $0xb8;
	[tilespmem:$0x2B18] =	vst v63  }
0xeb: {  	_ =	swait.ge [sflag:s11], $0x190  }
0xec: {  	[sflag:s11] =	ssyncset.done $0x0  }
0xed: {  	[sflag:s11] =	ssyncadd.s32 $0xFFFFFE70  }
0xee: {  	[spmem:s1] =	stream.indirect.scatter.add.f32 [tilespmem:s6], [sflag:$0x2], $0x1, s26, s9, $0xb8;
	[tilespmem:$0x2B18] =	vst v63  }
0xef: {  	_ =	swait.ge [sflag:s10], $0x190  }
0xf0: {  	[sflag:s10] =	ssyncset.done $0x0  }
0xf1: {  	[sflag:s10] =	ssyncadd.s32 $0xFFFFFE70  }
0xf2: {  	[spmem:s1] =	stream.indirect.scatter.add.f32 [tilespmem:s6], [sflag:$0x1], $0x1, s28, s9, $0xb8;
	[tilespmem:$0x2B18] =	vst v63  }
0xf3: {  	_ =	swait.ge [sflag:s11], $0x190  }
0xf4: {  	[sflag:s11] =	ssyncset.done $0x0  }
0xf5: {  	[sflag:s11] =	ssyncadd.s32 $0xFFFFFE70  }
0xf6: {  	[spmem:s1] =	stream.indirect.scatter.add.f32 [tilespmem:s6], [sflag:$0x2], $0x1, s29, s9, $0xb8;
	[tilespmem:$0x2B18] =	vst v63  }
0xf7: {  	_ =	swait.ge [sflag:s10], $0x190  }
0xf8: {  	[sflag:s10] =	ssyncset.done $0x0  }
0xf9: {  	[sflag:s10] =	ssyncadd.s32 $0xFFFFFE70  }
0xfa: {  	[spmem:s1] =	stream.indirect.scatter.add.f32 [tilespmem:s6], [sflag:$0x1], $0x1, s30, s9, $0xb8;
	[tilespmem:$0x2B18] =	vst v63  }
0xfb: {  	_ =	swait.ge [sflag:s11], $0x190  }
0xfc: {  	[sflag:s11] =	ssyncset.done $0x0  }
0xfd: {  	[sflag:s11] =	ssyncadd.s32 $0xFFFFFE70  }
0xfe: {  	s31 =	sadd.s32 $0xFFFFFFFF, s31;
	_ =	swait.ge [sflag:s10], $0x190  }
0xff: {  	p1 =	sne.s32 s31, $0x0;
	[sflag:s10] =	ssyncset.done $0x0  }
.Ltmp1:
0x100: {  	[sflag:s10] =	ssyncadd.s32 $0xFFFFFE70;
	(pc) =	sbr.rel @p1 .LBB2_1-.Ltmp1, $4  }
0x101: {  	[bflag:$0x0] =	sbarrier.arrive $0xFFFF  }
0x102: {  	s0 =	rddreg [dreg:$0x7]  }
0x103: {  	[hbm:s0], [sflag:s5] =	dma.local @!p0 [spmem:s4], $0x4E2  }
0x104: {  	_ =	swait.ge @!p0 [sflag:s3], $0x4E2  }
.LBB2_2:
0x105: {  	[sflag:s3] =	ssyncset.done @!p0 $0x0  }
0x106: {  	[sflag:s3] =	ssyncadd.s32 @!p0 $0xFFFFFB1E  }
0x107: {  	_ =	sfence.sel $0x180000  }
0x108: {  	[bflag:$0x0] =	sbarrier.arrive $0xFFFF  }
0x109: {  	_ =	strace $0x90000047  }
0x10a: {  	[bflag:$0x2] =	sbarrier.arrive $0xFFFF  }
0x10b: {  	s0 =	rddreg [dreg:$0x3]  }
0x10c: {  	s0 =	sadd.s32 @!p0 $0x100000, s0  }
0x10d: {  	[sflag:s0] =	ssyncadd.tile.s32 @!p0 $0x1;
	_ =	shalt  }
.Lfunc_end2:
_tile_overlayer_lowered:
.L_overlay_start_2:
0x10e: {  	(tag) =	ssettag $0x2  }
0x10f: {  	s0 =	rddreg [dreg:$0x0];
	s2 =	stileid.u32  }
0x110: {  	s1 =	rddreg [dreg:$0x1];
	p0 =	sne.s32 s2, $0x0  }
0x111: {  	s3 =	rddreg [dreg:$0x2];
	[bflag:$0x3] =	sbarrier.arrive $0xFFFF;
	s2 =	simm.s32 @!p0 $0x1C03  }
0x112: {  	[timem:s3], [sflag:s2] =	dma.local @!p0 [hbm:s0], s1  }
0x113: {  	s0 =	simm.s32 @!p0 $0x3  }
0x114: {  	_ =	swait.ge @!p0 [sflag:s0], s1  }
0x115: {  	s1 =	ssub.s32 @!p0 $0x0, s1;
	[sflag:s0] =	ssyncset.done @!p0 $0x0  }
0x116: {  	[sflag:s0] =	ssyncadd.s32 @!p0 s1  }
0x117: {  	[bflag:$0x3] =	sbarrier.arrive $0xFFFF  }
0x118: {  	_ =	shalt  }

</sc_bundles>
